<compile_context>
chip_gen: v7x
topology: tpu7x:2x2x1
jax: 0.10.2.dev20260603
libtpu: 0.0.44.dev20260713+nightly
codegen_flags: <defaults>
</compile_context>

<pallas_src>
import jax
import jax.numpy as jnp
from jax import lax
from jax.experimental import pallas as pl
from jax.experimental.pallas import tpu as pltpu
from jax.experimental.pallas import tpu_sc as plsc

N_NODES = 10000
N_EDGES = 10000
NNZ = 320000
D = 128

NC = 2
NS = 16
NW = NC * NS
CH = 128
CPW = 79
NNZP = NW * CPW * CH
NP = 10112
RPT = NP // NS
NPB = NP // 128
CNTW = NP + 128
CPR = CNTW // NS
PAIRS = (CPW - 1) // 2


def _sc_scatter_body(with_counts):

    def impl(table_hbm, gidx_hbm, sidx_hbm, zeros_hbm, acc_out, cnt_out,
             gidx_v, sb0, sb1, rows0, rows1, ones_v, zc_v, cnt_sh,
             gsem0, gsem1, ssem0, ssem1, isem0, isem1, csem0, csem1,
             acc_sh):
        c = lax.axis_index("c")
        s = lax.axis_index("s")
        w = c * NS + s
        pltpu.sync_copy(gidx_hbm.at[w], gidx_v)
        pltpu.sync_copy(zeros_hbm.at[pl.ds(s * RPT, RPT)],
                        acc_sh.at[pl.ds(s * RPT, RPT)])
        if with_counts:
            for i in range(CH // 16):
                ones_v[pl.ds(i * 16, 16)] = jnp.full((16,), 1.0, jnp.float32)

            def fill(i, carry):
                zc_v[pl.ds(i * 16, 16)] = jnp.zeros((16,), jnp.float32)
                return carry
            lax.fori_loop(0, CPR // 16, fill, 0)
            pltpu.sync_copy(zc_v, cnt_sh.at[pl.ds(s * CPR, CPR)])
        plsc.subcore_barrier()

        def sidx_load(j, sb, isem):
            pltpu.async_copy(sidx_hbm.at[w, j, 0], sb, isem)

        def sidx_wait(sb, isem):
            pltpu.make_async_copy(sidx_hbm.at[w, 0, 0], sb, isem).wait()

        def gather(j, rbuf, gsem):
            pltpu.async_copy(table_hbm.at[gidx_v.at[j, 0]], rbuf, gsem)

        def gather_wait(rbuf, gsem):
            pltpu.make_async_copy(table_hbm.at[gidx_v.at[0, 0]], rbuf,
                                  gsem).wait()

        def scatter(sb, rbuf, ssem):
            pltpu.async_copy(rbuf, acc_sh.at[sb], ssem, add=True)

        def scatter_wait(sb, rbuf, ssem):
            pltpu.make_async_copy(rbuf, acc_sh.at[sb], ssem).wait()

        def count(sb, csem):
            if with_counts:
                pltpu.async_copy(ones_v, cnt_sh.at[sb], csem, add=True)

        def count_wait(sb, csem):
            if with_counts:
                pltpu.make_async_copy(ones_v, cnt_sh.at[sb], csem).wait()

        sidx_load(0, sb0, isem0)
        sidx_load(1, sb1, isem1)
        gather(0, rows0, gsem0)
        gather(1, rows1, gsem1)

        def pair(g, carry):
            j0 = 2 * g
            gather_wait(rows0, gsem0)
            sidx_wait(sb0, isem0)
            scatter(sb0, rows0, ssem0)
            count(sb0, csem0)
            gather_wait(rows1, gsem1)
            sidx_wait(sb1, isem1)
            scatter(sb1, rows1, ssem1)
            count(sb1, csem1)

            @pl.when(g < PAIRS - 1)
            def _():
                scatter_wait(sb0, rows0, ssem0)
                count_wait(sb0, csem0)
                sidx_load(j0 + 2, sb0, isem0)
                gather(j0 + 2, rows0, gsem0)
                scatter_wait(sb1, rows1, ssem1)
                count_wait(sb1, csem1)
                sidx_load(j0 + 3, sb1, isem1)
                gather(j0 + 3, rows1, gsem1)
            return carry

        lax.fori_loop(0, PAIRS, pair, 0)
        scatter_wait(sb0, rows0, ssem0)
        count_wait(sb0, csem0)
        scatter_wait(sb1, rows1, ssem1)
        count_wait(sb1, csem1)
        sidx_load(CPW - 1, sb0, isem0)
        gather(CPW - 1, rows0, gsem0)
        gather_wait(rows0, gsem0)
        sidx_wait(sb0, isem0)
        pltpu.sync_copy(rows0, acc_sh.at[sb0], add=True)
        count(sb0, csem0)
        count_wait(sb0, csem0)
        plsc.subcore_barrier()
        pltpu.sync_copy(acc_sh.at[pl.ds(s * RPT, RPT)],
                        acc_out.at[c, pl.ds(s * RPT, RPT)])
        if with_counts:
            pltpu.sync_copy(cnt_sh.at[pl.ds(s * CPR, CPR)],
                            cnt_out.at[c, pl.ds(s * CPR, CPR)])

    if with_counts:
        def body(table_hbm, gidx_hbm, sidx_hbm, zeros_hbm, acc_out, cnt_out,
                 gidx_v, sb0, sb1, rows0, rows1, ones_v, zc_v, cnt_sh,
                 gsem0, gsem1, ssem0, ssem1, isem0, isem1, csem0, csem1,
                 acc_sh):
            impl(table_hbm, gidx_hbm, sidx_hbm, zeros_hbm, acc_out, cnt_out,
                 gidx_v, sb0, sb1, rows0, rows1, ones_v, zc_v, cnt_sh,
                 gsem0, gsem1, ssem0, ssem1, isem0, isem1, csem0, csem1,
                 acc_sh)
    else:
        def body(table_hbm, gidx_hbm, sidx_hbm, zeros_hbm, acc_out,
                 gidx_v, sb0, sb1, rows0, rows1,
                 gsem0, gsem1, ssem0, ssem1, isem0, isem1, acc_sh):
            impl(table_hbm, gidx_hbm, sidx_hbm, zeros_hbm, acc_out, None,
                 gidx_v, sb0, sb1, rows0, rows1, None, None, None,
                 gsem0, gsem1, ssem0, ssem1, isem0, isem1, None, None,
                 acc_sh)
    return body


def _sc_scatter_pass(table, gidx4d, sidx4d, zeros, with_counts):
    mesh = plsc.VectorSubcoreMesh(core_axis_name="c", subcore_axis_name="s",
                                  num_cores=NC, num_subcores=NS)
    outs = [jax.ShapeDtypeStruct((NC, NP, D), jnp.float32)]
    scratch = [
        pltpu.VMEM((CPW, 1, CH), jnp.int32),
        pltpu.VMEM((CH,), jnp.int32),
        pltpu.VMEM((CH,), jnp.int32),
        pltpu.VMEM((CH, D), jnp.float32),
        pltpu.VMEM((CH, D), jnp.float32),
    ]
    if with_counts:
        outs.append(jax.ShapeDtypeStruct((NC, CNTW), jnp.float32))
        scratch += [pltpu.VMEM((CH,), jnp.float32),
                    pltpu.VMEM((CPR,), jnp.float32),
                    pltpu.VMEM_SHARED((CNTW,), jnp.float32)]
    scratch += [pltpu.SemaphoreType.DMA] * (8 if with_counts else 6)
    scratch += [
        pltpu.VMEM_SHARED((NP, D), jnp.float32),
    ]
    fn = pl.kernel(_sc_scatter_body(with_counts),
                   out_type=tuple(outs) if with_counts else outs[0],
                   mesh=mesh, scratch_types=scratch)
    return fn(table, gidx4d, sidx4d, zeros)


def _tc_matmul(xp, w):
    def body(x_ref, w_ref, o_ref):
        o_ref[...] = lax.dot_general(
            x_ref[...], w_ref[...], (((1,), (1,)), ((), ())),
            precision=lax.Precision.HIGHEST,
            preferred_element_type=jnp.float32)
    return pl.pallas_call(
        body,
        grid=(8,),
        in_specs=[pl.BlockSpec((NP // 8, D), lambda g: (g, 0)),
                  pl.BlockSpec((D, D), lambda g: (0, 0))],
        out_specs=pl.BlockSpec((NP // 8, D), lambda g: (g, 0)),
        out_shape=jax.ShapeDtypeStruct((NP, D), jnp.float32),
    )(xp, w)


def _tc_mean(esum_p, cnt_p):
    def body(e_ref, c_ref, o_ref):
        e = e_ref[0] + e_ref[1]
        cnt = c_ref[0] + c_ref[1]
        ri = lax.broadcasted_iota(jnp.int32, (128, 128), 0)
        ci = lax.broadcasted_iota(jnp.int32, (128, 128), 1)
        cb = jnp.broadcast_to(cnt[None, :], (128, 128))
        col = jnp.sum(jnp.where(ri == ci, cb, 0.0), axis=1, keepdims=True)
        o_ref[...] = e / jnp.maximum(col, 1.0)
    return pl.pallas_call(
        body,
        grid=(NPB,),
        in_specs=[pl.BlockSpec((NC, 128, D), lambda g: (0, g, 0)),
                  pl.BlockSpec((NC, 128), lambda g: (0, g))],
        out_specs=pl.BlockSpec((128, D), lambda g: (g, 0)),
        out_shape=jax.ShapeDtypeStruct((NP, D), jnp.float32),
    )(esum_p, cnt_p)


def _tc_combine(x2p, xv_p, eps):
    def body(x2_ref, xv_ref, eps_ref, o_ref):
        o_ref[...] = ((1.0 + eps_ref[0]) * x2_ref[...]
                      + xv_ref[0] + xv_ref[1])
    return pl.pallas_call(
        body,
        grid=(10,),
        in_specs=[pl.BlockSpec((1000, D), lambda g: (g, 0)),
                  pl.BlockSpec((NC, 1000, D), lambda g: (0, g, 0)),
                  pl.BlockSpec(memory_space=pltpu.SMEM)],
        out_specs=pl.BlockSpec((1000, D), lambda g: (g, 0)),
        out_shape=jax.ShapeDtypeStruct((N_NODES, D), jnp.float32),
    )(x2p, xv_p, eps)


def kernel(X, vertex, edges, W, eps):
    pad = NNZP - NNZ
    vp = jnp.concatenate(
        [vertex, jnp.full((pad,), N_NODES, jnp.int32)]).reshape(NW, CPW, 1, CH)
    ep = jnp.concatenate(
        [edges, jnp.full((pad,), N_EDGES, jnp.int32)]).reshape(NW, CPW, 1, CH)
    xp = jnp.pad(X, ((0, NP - N_NODES), (0, 0)))
    zeros = jnp.zeros((NP, D), jnp.float32)

    x2p = _tc_matmul(xp, W)
    esum_p, cnt_p = _sc_scatter_pass(x2p, vp, ep, zeros, True)
    xe_full = _tc_mean(esum_p, cnt_p)
    xv_p = _sc_scatter_pass(xe_full, ep, vp, zeros, False)
    xout = _tc_combine(x2p, xv_p, eps)
    return (xout, xe_full[:N_NODES])

# --- scband reference (transcript-rebuilt; emitter-appended) ---
"""Pipeline reference for scband-uni-ginconv-18081812316775 (READ-ONLY COPY).

The authoritative reference and input builder live on the scoring server;
editing this copy changes nothing except your own understanding.
"""

import jax, jax.numpy as jnp
import numpy as np

N_NODES = 10000
N_HYPEREDGES = 10000
NNZ = 320000
D_IN = 128
HEADS = 1
D_OUT = 128


def setup_inputs(seed: int = 0) -> dict:
    key = jax.random.key(seed)
    k1, k2, k3, k4, k5 = jax.random.split(key, 5)
    X = jax.random.normal(k1, (N_NODES, D_IN), dtype=jnp.float32)
    vertex = jax.random.randint(k2, (NNZ,), 0, N_NODES, dtype=jnp.int32)
    edges = jax.random.randint(k3, (NNZ,), 0, N_HYPEREDGES, dtype=jnp.int32)
    # nn.Linear(in_channels, heads*out_channels, bias=False): weight shape [out, in]
    W = jax.random.normal(k4, (HEADS * D_OUT, D_IN), dtype=jnp.float32) * (1.0 / np.sqrt(D_IN))
    eps = jnp.zeros((1,), dtype=jnp.float32)
    return {"X": X, "vertex": vertex, "edges": edges, "W": W, "eps": eps}


def reference(X, vertex, edges, W, eps):
    # args.first_aggregate = 'mean', args.use_norm = False
    N = X.shape[0]
    X2 = X @ W.T                                   # Linear, no bias
    Xve = jnp.take(X2, vertex, axis=0)             # gather node feats per incidence
    # scatter(..., reduce='mean') over hyperedge ids
    esum = jax.ops.segment_sum(Xve, edges, num_segments=N_HYPEREDGES)
    cnt = jax.ops.segment_sum(jnp.ones((Xve.shape[0], 1), dtype=X2.dtype), edges, num_segments=N_HYPEREDGES)
    Xe = esum / jnp.clip(cnt, 1.0)
    Xev = jnp.take(Xe, edges, axis=0)              # gather hyperedge feats back per incidence
    # scatter(..., reduce='sum', dim_size=N) over vertex ids
    Xv = jax.ops.segment_sum(Xev, vertex, num_segments=N)
    Xout = (1.0 + eps) * X2 + Xv
    return (Xout, Xe)


if False:  # reference __main__ guard neutralized (emitter)
    inp = setup_inputs()
    out = reference(**inp)
    print(out[0].shape, out[1].shape)

if __name__ == "__main__":
    import jax
    _d = setup_inputs()
    print(jax.jit(kernel)(*tuple(_d.values())))

</pallas_src>

<mosaic_0001>
#map = affine_map<(d0, d1) -> (0, 0)>
#map1 = affine_map<(d0, d1) -> (0, 0, 0, 0)>
#map2 = affine_map<(d0, d1) -> (0, 0, 0)>
module attributes {stable_mosaic.version = 14 : i64} {
  func.func @body(%arg0: i32, %arg1: i32, %arg2: memref<10112x128xf32, #tpu.memory_space<hbm>>, %arg3: memref<32x79x1x128xi32, #tpu.memory_space<hbm>>, %arg4: memref<32x79x1x128xi32, #tpu.memory_space<hbm>>, %arg5: memref<10112x128xf32, #tpu.memory_space<hbm>>, %arg6: memref<2x10112x128xf32, #tpu.memory_space<hbm>>, %arg7: memref<2x10240xf32, #tpu.memory_space<hbm>>, %arg8: memref<79x1x128xi32, #tpu.memory_space<vmem>>, %arg9: memref<128xi32, #tpu.memory_space<vmem>>, %arg10: memref<128xi32, #tpu.memory_space<vmem>>, %arg11: memref<128x128xf32, #tpu.memory_space<vmem>>, %arg12: memref<128x128xf32, #tpu.memory_space<vmem>>, %arg13: memref<128xf32, #tpu.memory_space<vmem>>, %arg14: memref<640xf32, #tpu.memory_space<vmem>>, %arg15: memref<10240xf32, #tpu.memory_space<vmem_shared>>, %arg16: memref<!tpu.dma_semaphore, #tpu.memory_space<semaphore_mem>>, %arg17: memref<!tpu.dma_semaphore, #tpu.memory_space<semaphore_mem>>, %arg18: memref<!tpu.dma_semaphore, #tpu.memory_space<semaphore_mem>>, %arg19: memref<!tpu.dma_semaphore, #tpu.memory_space<semaphore_mem>>, %arg20: memref<!tpu.dma_semaphore, #tpu.memory_space<semaphore_mem>>, %arg21: memref<!tpu.dma_semaphore, #tpu.memory_space<semaphore_mem>>, %arg22: memref<!tpu.dma_semaphore, #tpu.memory_space<semaphore_mem>>, %arg23: memref<!tpu.dma_semaphore, #tpu.memory_space<semaphore_mem>>, %arg24: memref<10112x128xf32, #tpu.memory_space<vmem_shared>>) attributes {dimension_semantics = [#tpu.dimension_semantics<core_parallel>, #tpu.dimension_semantics<subcore_parallel>], iteration_bounds = array<i64: 2, 16>, scalar_prefetch = 0 : i64, scratch_operands = 17 : i64, tpu.core_type = #tpu.core_type<sc_vector_subcore>, window_params = [{transform_indices = #map}, {transform_indices = #map1}, {transform_indices = #map1}, {transform_indices = #map}, {transform_indices = #map2}, {transform_indices = #map}]} {
    %mul3A = arith.constant 16 : i32
    %mul3A_0 = arith.muli %arg0, %mul3A : i32
    %add3A = arith.addi %mul3A_0, %arg1 : i32
    "tpu.region"() ({
      %run_scoped3A = tpu.sem_alloc : memref<!tpu.dma_semaphore, #tpu.memory_space<semaphore_mem>>
      %dma_start3A_149 = arith.constant 0 : i32
      %dma_start3A_150 = arith.constant 0 : i32
      %dma_start3A_151 = arith.constant 0 : i32
      %dma_start3A_152 = tpu.memref_slice %arg3[%add3A, %dma_start3A_149, %dma_start3A_150, %dma_start3A_151] : memref<32x79x1x128xi32, #tpu.memory_space<hbm>> -> memref<1x79x1x128xi32, #tpu.memory_space<hbm>>
      %dma_start3A_153 = tpu.memref_squeeze %dma_start3A_152 : memref<1x79x1x128xi32, #tpu.memory_space<hbm>> -> memref<79x1x128xi32, #tpu.memory_space<hbm>>
      %dma_start3A_154 = arith.constant 0 : i32
      %dma_start3A_155 = arith.constant 0 : i32
      %dma_start3A_156 = arith.constant 0 : i32
      %dma_start3A_157 = tpu.memref_slice %arg3[%add3A, %dma_start3A_154, %dma_start3A_155, %dma_start3A_156] : memref<32x79x1x128xi32, #tpu.memory_space<hbm>> -> memref<1x79x1x128xi32, #tpu.memory_space<hbm>>
      %dma_start3A_158 = tpu.memref_squeeze %dma_start3A_157 : memref<1x79x1x128xi32, #tpu.memory_space<hbm>> -> memref<79x1x128xi32, #tpu.memory_space<hbm>>
      tpu.enqueue_dma source(%dma_start3A_158 : memref<79x1x128xi32, #tpu.memory_space<hbm>>) target(%arg8 : memref<79x1x128xi32, #tpu.memory_space<vmem>>) target_semaphore(%run_scoped3A : memref<!tpu.dma_semaphore, #tpu.memory_space<semaphore_mem>>)
      %dma_wait3A_159 = arith.constant 0 : i32
      %dma_wait3A_160 = arith.constant 0 : i32
      %dma_wait3A_161 = arith.constant 0 : i32
      %dma_wait3A_162 = tpu.memref_slice %arg3[%add3A, %dma_wait3A_159, %dma_wait3A_160, %dma_wait3A_161] : memref<32x79x1x128xi32, #tpu.memory_space<hbm>> -> memref<1x79x1x128xi32, #tpu.memory_space<hbm>>
      %dma_wait3A_163 = tpu.memref_squeeze %dma_wait3A_162 : memref<1x79x1x128xi32, #tpu.memory_space<hbm>> -> memref<79x1x128xi32, #tpu.memory_space<hbm>>
      %dma_wait3A_164 = arith.constant 0 : i32
      %dma_wait3A_165 = arith.constant 0 : i32
      %dma_wait3A_166 = arith.constant 0 : i32
      %dma_wait3A_167 = tpu.memref_slice %arg3[%add3A, %dma_wait3A_164, %dma_wait3A_165, %dma_wait3A_166] : memref<32x79x1x128xi32, #tpu.memory_space<hbm>> -> memref<1x79x1x128xi32, #tpu.memory_space<hbm>>
      %dma_wait3A_168 = tpu.memref_squeeze %dma_wait3A_167 : memref<1x79x1x128xi32, #tpu.memory_space<hbm>> -> memref<79x1x128xi32, #tpu.memory_space<hbm>>
      tpu.wait_dma2 semaphore(%run_scoped3A : memref<!tpu.dma_semaphore, #tpu.memory_space<semaphore_mem>>) src(%dma_wait3A_168 : memref<79x1x128xi32, #tpu.memory_space<hbm>>) dst(%arg8 : memref<79x1x128xi32, #tpu.memory_space<vmem>>)
      tpu.yield
    }) : () -> ()
    %mul3A_1 = arith.constant 632 : i32
    %mul3A_2 = arith.muli %arg1, %mul3A_1 : i32
    %mul3A_3 = arith.constant 632 : i32
    %mul3A_4 = arith.muli %arg1, %mul3A_3 : i32
    "tpu.region"() ({
      %run_scoped3A = tpu.sem_alloc : memref<!tpu.dma_semaphore, #tpu.memory_space<semaphore_mem>>
      %dma_start3A_149 = arith.constant 0 : i32
      %dma_start3A_150 = tpu.memref_slice %arg24[%mul3A_4, %dma_start3A_149] : memref<10112x128xf32, #tpu.memory_space<vmem_shared>> -> memref<632x128xf32, #tpu.memory_space<vmem_shared>>
      %dma_start3A_151 = arith.constant 0 : i32
      %dma_start3A_152 = tpu.memref_slice %arg5[%mul3A_2, %dma_start3A_151] : memref<10112x128xf32, #tpu.memory_space<hbm>> -> memref<632x128xf32, #tpu.memory_space<hbm>>
      tpu.enqueue_dma source(%dma_start3A_152 : memref<632x128xf32, #tpu.memory_space<hbm>>) target(%dma_start3A_150 : memref<632x128xf32, #tpu.memory_space<vmem_shared>>) target_semaphore(%run_scoped3A : memref<!tpu.dma_semaphore, #tpu.memory_space<semaphore_mem>>)
      %dma_wait3A_153 = arith.constant 0 : i32
      %dma_wait3A_154 = tpu.memref_slice %arg24[%mul3A_4, %dma_wait3A_153] : memref<10112x128xf32, #tpu.memory_space<vmem_shared>> -> memref<632x128xf32, #tpu.memory_space<vmem_shared>>
      %dma_wait3A_155 = arith.constant 0 : i32
      %dma_wait3A_156 = tpu.memref_slice %arg5[%mul3A_2, %dma_wait3A_155] : memref<10112x128xf32, #tpu.memory_space<hbm>> -> memref<632x128xf32, #tpu.memory_space<hbm>>
      tpu.wait_dma2 semaphore(%run_scoped3A : memref<!tpu.dma_semaphore, #tpu.memory_space<semaphore_mem>>) src(%dma_wait3A_156 : memref<632x128xf32, #tpu.memory_space<hbm>>) dst(%dma_wait3A_154 : memref<632x128xf32, #tpu.memory_space<vmem_shared>>)
      tpu.yield
    }) : () -> ()
    %broadcast_in_dim3A = arith.constant 1.000000e+00 : f32
    %broadcast_in_dim3A_5 = vector.broadcast %broadcast_in_dim3A : f32 to vector<16xf32>
    %swap3A = arith.constant 0 : index
    %swap3A_6 = tpu.vector_load %arg13[%swap3A] {strides = array<i32>} : memref<128xf32, #tpu.memory_space<vmem>>, vector<16xf32>,
    %swap3A_7 = vector.shape_cast %swap3A_6 : vector<16xf32> to vector<16xf32>
    %swap3A_8 = vector.shape_cast %broadcast_in_dim3A_5 : vector<16xf32> to vector<16xf32>
    tpu.vector_store %arg13[%swap3A], %swap3A_8 {strides = array<i32>} : memref<128xf32, #tpu.memory_space<vmem>>, vector<16xf32>,
    %broadcast_in_dim3A_9 = arith.constant 1.000000e+00 : f32
    %broadcast_in_dim3A_10 = vector.broadcast %broadcast_in_dim3A_9 : f32 to vector<16xf32>
    %swap3A_11 = arith.constant 16 : index
    %swap3A_12 = tpu.vector_load %arg13[%swap3A_11] {strides = array<i32>} : memref<128xf32, #tpu.memory_space<vmem>>, vector<16xf32>,
    %swap3A_13 = vector.shape_cast %swap3A_12 : vector<16xf32> to vector<16xf32>
    %swap3A_14 = vector.shape_cast %broadcast_in_dim3A_10 : vector<16xf32> to vector<16xf32>
    tpu.vector_store %arg13[%swap3A_11], %swap3A_14 {strides = array<i32>} : memref<128xf32, #tpu.memory_space<vmem>>, vector<16xf32>,
    %broadcast_in_dim3A_15 = arith.constant 1.000000e+00 : f32
    %broadcast_in_dim3A_16 = vector.broadcast %broadcast_in_dim3A_15 : f32 to vector<16xf32>
    %swap3A_17 = arith.constant 32 : index
    %swap3A_18 = tpu.vector_load %arg13[%swap3A_17] {strides = array<i32>} : memref<128xf32, #tpu.memory_space<vmem>>, vector<16xf32>,
    %swap3A_19 = vector.shape_cast %swap3A_18 : vector<16xf32> to vector<16xf32>
    %swap3A_20 = vector.shape_cast %broadcast_in_dim3A_16 : vector<16xf32> to vector<16xf32>
    tpu.vector_store %arg13[%swap3A_17], %swap3A_20 {strides = array<i32>} : memref<128xf32, #tpu.memory_space<vmem>>, vector<16xf32>,
    %broadcast_in_dim3A_21 = arith.constant 1.000000e+00 : f32
    %broadcast_in_dim3A_22 = vector.broadcast %broadcast_in_dim3A_21 : f32 to vector<16xf32>
    %swap3A_23 = arith.constant 48 : index
    %swap3A_24 = tpu.vector_load %arg13[%swap3A_23] {strides = array<i32>} : memref<128xf32, #tpu.memory_space<vmem>>, vector<16xf32>,
    %swap3A_25 = vector.shape_cast %swap3A_24 : vector<16xf32> to vector<16xf32>
    %swap3A_26 = vector.shape_cast %broadcast_in_dim3A_22 : vector<16xf32> to vector<16xf32>
    tpu.vector_store %arg13[%swap3A_23], %swap3A_26 {strides = array<i32>} : memref<128xf32, #tpu.memory_space<vmem>>, vector<16xf32>,
    %broadcast_in_dim3A_27 = arith.constant 1.000000e+00 : f32
    %broadcast_in_dim3A_28 = vector.broadcast %broadcast_in_dim3A_27 : f32 to vector<16xf32>
    %swap3A_29 = arith.constant 64 : index
    %swap3A_30 = tpu.vector_load %arg13[%swap3A_29] {strides = array<i32>} : memref<128xf32, #tpu.memory_space<vmem>>, vector<16xf32>,
    %swap3A_31 = vector.shape_cast %swap3A_30 : vector<16xf32> to vector<16xf32>
    %swap3A_32 = vector.shape_cast %broadcast_in_dim3A_28 : vector<16xf32> to vector<16xf32>
    tpu.vector_store %arg13[%swap3A_29], %swap3A_32 {strides = array<i32>} : memref<128xf32, #tpu.memory_space<vmem>>, vector<16xf32>,
    %broadcast_in_dim3A_33 = arith.constant 1.000000e+00 : f32
    %broadcast_in_dim3A_34 = vector.broadcast %broadcast_in_dim3A_33 : f32 to vector<16xf32>
    %swap3A_35 = arith.constant 80 : index
    %swap3A_36 = tpu.vector_load %arg13[%swap3A_35] {strides = array<i32>} : memref<128xf32, #tpu.memory_space<vmem>>, vector<16xf32>,
    %swap3A_37 = vector.shape_cast %swap3A_36 : vector<16xf32> to vector<16xf32>
    %swap3A_38 = vector.shape_cast %broadcast_in_dim3A_34 : vector<16xf32> to vector<16xf32>
    tpu.vector_store %arg13[%swap3A_35], %swap3A_38 {strides = array<i32>} : memref<128xf32, #tpu.memory_space<vmem>>, vector<16xf32>,
    %broadcast_in_dim3A_39 = arith.constant 1.000000e+00 : f32
    %broadcast_in_dim3A_40 = vector.broadcast %broadcast_in_dim3A_39 : f32 to vector<16xf32>
    %swap3A_41 = arith.constant 96 : index
    %swap3A_42 = tpu.vector_load %arg13[%swap3A_41] {strides = array<i32>} : memref<128xf32, #tpu.memory_space<vmem>>, vector<16xf32>,
    %swap3A_43 = vector.shape_cast %swap3A_42 : vector<16xf32> to vector<16xf32>
    %swap3A_44 = vector.shape_cast %broadcast_in_dim3A_40 : vector<16xf32> to vector<16xf32>
    tpu.vector_store %arg13[%swap3A_41], %swap3A_44 {strides = array<i32>} : memref<128xf32, #tpu.memory_space<vmem>>, vector<16xf32>,
    %broadcast_in_dim3A_45 = arith.constant 1.000000e+00 : f32
    %broadcast_in_dim3A_46 = vector.broadcast %broadcast_in_dim3A_45 : f32 to vector<16xf32>
    %swap3A_47 = arith.constant 112 : index
    %swap3A_48 = tpu.vector_load %arg13[%swap3A_47] {strides = array<i32>} : memref<128xf32, #tpu.memory_space<vmem>>, vector<16xf32>,
    %swap3A_49 = vector.shape_cast %swap3A_48 : vector<16xf32> to vector<16xf32>
    %swap3A_50 = vector.shape_cast %broadcast_in_dim3A_46 : vector<16xf32> to vector<16xf32>
    tpu.vector_store %arg13[%swap3A_47], %swap3A_50 {strides = array<i32>} : memref<128xf32, #tpu.memory_space<vmem>>, vector<16xf32>,
    %scan3A = arith.constant 0 : i32
    %scan3A_51 = arith.constant 0 : i32
    %scan3A_52 = arith.constant 40 : i32
    %scan3A_53 = arith.addi %scan3A_51, %scan3A_52 : i32
    %scan3A_54 = arith.constant 1 : i32
    scf.for %scan3A_149 = %scan3A_51 to %scan3A_53 step %scan3A_54  : i32 {
      %broadcast_in_dim3A_150 = arith.constant 0.000000e+00 : f32
      %broadcast_in_dim3A_151 = vector.broadcast %broadcast_in_dim3A_150 : f32 to vector<16xf32>
      %mul3A_152 = arith.constant 16 : i32
      %mul3A_153 = arith.muli %scan3A_149, %mul3A_152 : i32
      %swap3A_154 = arith.index_cast %mul3A_153 : i32 to index
      %swap3A_155 = tpu.vector_load %arg14[%swap3A_154] {strides = array<i32>} : memref<640xf32, #tpu.memory_space<vmem>>, vector<16xf32>,
      %swap3A_156 = vector.shape_cast %swap3A_155 : vector<16xf32> to vector<16xf32>
      %swap3A_157 = vector.shape_cast %broadcast_in_dim3A_151 : vector<16xf32> to vector<16xf32>
      tpu.vector_store %arg14[%swap3A_154], %swap3A_157 {strides = array<i32>} : memref<640xf32, #tpu.memory_space<vmem>>, vector<16xf32>,
    }
    %scan3A_55 = arith.constant 40 : i32
    %mul3A_56 = arith.constant 640 : i32
    %mul3A_57 = arith.muli %arg1, %mul3A_56 : i32
    "tpu.region"() ({
      %run_scoped3A = tpu.sem_alloc : memref<!tpu.dma_semaphore, #tpu.memory_space<semaphore_mem>>
      %dma_start3A_149 = tpu.memref_slice %arg15[%mul3A_57] : memref<10240xf32, #tpu.memory_space<vmem_shared>> -> memref<640xf32, #tpu.memory_space<vmem_shared>>
      %dma_start3A_150 = tpu.memref_slice %arg15[%mul3A_57] : memref<10240xf32, #tpu.memory_space<vmem_shared>> -> memref<640xf32, #tpu.memory_space<vmem_shared>>
      tpu.enqueue_dma source(%arg14 : memref<640xf32, #tpu.memory_space<vmem>>) target(%dma_start3A_150 : memref<640xf32, #tpu.memory_space<vmem_shared>>) target_semaphore(%run_scoped3A : memref<!tpu.dma_semaphore, #tpu.memory_space<semaphore_mem>>)
      %dma_wait3A_151 = tpu.memref_slice %arg15[%mul3A_57] : memref<10240xf32, #tpu.memory_space<vmem_shared>> -> memref<640xf32, #tpu.memory_space<vmem_shared>>
      %dma_wait3A_152 = tpu.memref_slice %arg15[%mul3A_57] : memref<10240xf32, #tpu.memory_space<vmem_shared>> -> memref<640xf32, #tpu.memory_space<vmem_shared>>
      tpu.wait_dma2 semaphore(%run_scoped3A : memref<!tpu.dma_semaphore, #tpu.memory_space<semaphore_mem>>) src(%arg14 : memref<640xf32, #tpu.memory_space<vmem>>) dst(%dma_wait3A_152 : memref<640xf32, #tpu.memory_space<vmem_shared>>)
      tpu.yield
    }) : () -> ()
    %barrier3A = arith.constant 0 : index
    tpu.barrier barrier_id(%barrier3A)
    %dma_start3A = arith.constant 0 : i32
    %dma_start3A_58 = arith.constant 0 : i32
    %dma_start3A_59 = arith.constant 0 : i32
    %dma_start3A_60 = tpu.memref_slice %arg4[%add3A, %dma_start3A, %dma_start3A_58, %dma_start3A_59] : memref<32x79x1x128xi32, #tpu.memory_space<hbm>> -> memref<1x1x1x128xi32, #tpu.memory_space<hbm>>
    %dma_start3A_61 = tpu.memref_squeeze %dma_start3A_60 : memref<1x1x1x128xi32, #tpu.memory_space<hbm>> -> memref<128xi32, #tpu.memory_space<hbm>>
    %dma_start3A_62 = arith.constant 0 : i32
    %dma_start3A_63 = tpu.memref_slice %arg4[%add3A, %dma_start3A, %dma_start3A_58, %dma_start3A_62] : memref<32x79x1x128xi32, #tpu.memory_space<hbm>> -> memref<1x1x1x128xi32, #tpu.memory_space<hbm>>
    %dma_start3A_64 = tpu.memref_squeeze %dma_start3A_63 : memref<1x1x1x128xi32, #tpu.memory_space<hbm>> -> memref<128xi32, #tpu.memory_space<hbm>>
    tpu.enqueue_dma source(%dma_start3A_64 : memref<128xi32, #tpu.memory_space<hbm>>) target(%arg9 : memref<128xi32, #tpu.memory_space<vmem>>) target_semaphore(%arg20 : memref<!tpu.dma_semaphore, #tpu.memory_space<semaphore_mem>>)
    %dma_start3A_65 = arith.constant 1 : i32
    %dma_start3A_66 = arith.constant 0 : i32
    %dma_start3A_67 = arith.constant 0 : i32
    %dma_start3A_68 = tpu.memref_slice %arg4[%add3A, %dma_start3A_65, %dma_start3A_66, %dma_start3A_67] : memref<32x79x1x128xi32, #tpu.memory_space<hbm>> -> memref<1x1x1x128xi32, #tpu.memory_space<hbm>>
    %dma_start3A_69 = tpu.memref_squeeze %dma_start3A_68 : memref<1x1x1x128xi32, #tpu.memory_space<hbm>> -> memref<128xi32, #tpu.memory_space<hbm>>
    %dma_start3A_70 = arith.constant 0 : i32
    %dma_start3A_71 = tpu.memref_slice %arg4[%add3A, %dma_start3A_65, %dma_start3A_66, %dma_start3A_70] : memref<32x79x1x128xi32, #tpu.memory_space<hbm>> -> memref<1x1x1x128xi32, #tpu.memory_space<hbm>>
    %dma_start3A_72 = tpu.memref_squeeze %dma_start3A_71 : memref<1x1x1x128xi32, #tpu.memory_space<hbm>> -> memref<128xi32, #tpu.memory_space<hbm>>
    tpu.enqueue_dma source(%dma_start3A_72 : memref<128xi32, #tpu.memory_space<hbm>>) target(%arg10 : memref<128xi32, #tpu.memory_space<vmem>>) target_semaphore(%arg21 : memref<!tpu.dma_semaphore, #tpu.memory_space<semaphore_mem>>)
    %dma_start3A_73 = arith.constant 0 : i32
    %dma_start3A_74 = arith.constant 0 : i32
    %dma_start3A_75 = arith.constant 0 : i32
    %dma_start3A_76 = tpu.memref_slice %arg8[%dma_start3A_73, %dma_start3A_74, %dma_start3A_75] : memref<79x1x128xi32, #tpu.memory_space<vmem>> -> memref<1x1x128xi32, #tpu.memory_space<vmem>>
    %dma_start3A_77 = tpu.memref_squeeze %dma_start3A_76 : memref<1x1x128xi32, #tpu.memory_space<vmem>> -> memref<128xi32, #tpu.memory_space<vmem>>
    %dma_start3A_78 = arith.constant 0 : i32
    %dma_start3A_79 = arith.constant 0 : i32
    %dma_start3A_80 = tpu.memref_slice %arg2[%dma_start3A_78, %dma_start3A_79] : memref<10112x128xf32, #tpu.memory_space<hbm>> -> memref<10112x128xf32, #tpu.memory_space<hbm>>
    tpu.enqueue_indirect_dma source(%dma_start3A_80 : memref<10112x128xf32, #tpu.memory_space<hbm>>) target(%arg11 : memref<128x128xf32, #tpu.memory_space<vmem>>) offsets(%dma_start3A_77 : memref<128xi32, #tpu.memory_space<vmem>>) semaphore(%arg16 : memref<!tpu.dma_semaphore, #tpu.memory_space<semaphore_mem>>)
    %dma_start3A_81 = arith.constant 1 : i32
    %dma_start3A_82 = arith.constant 0 : i32
    %dma_start3A_83 = arith.constant 0 : i32
    %dma_start3A_84 = tpu.memref_slice %arg8[%dma_start3A_81, %dma_start3A_82, %dma_start3A_83] : memref<79x1x128xi32, #tpu.memory_space<vmem>> -> memref<1x1x128xi32, #tpu.memory_space<vmem>>
    %dma_start3A_85 = tpu.memref_squeeze %dma_start3A_84 : memref<1x1x128xi32, #tpu.memory_space<vmem>> -> memref<128xi32, #tpu.memory_space<vmem>>
    %dma_start3A_86 = arith.constant 0 : i32
    %dma_start3A_87 = arith.constant 0 : i32
    %dma_start3A_88 = tpu.memref_slice %arg2[%dma_start3A_86, %dma_start3A_87] : memref<10112x128xf32, #tpu.memory_space<hbm>> -> memref<10112x128xf32, #tpu.memory_space<hbm>>
    tpu.enqueue_indirect_dma source(%dma_start3A_88 : memref<10112x128xf32, #tpu.memory_space<hbm>>) target(%arg12 : memref<128x128xf32, #tpu.memory_space<vmem>>) offsets(%dma_start3A_85 : memref<128xi32, #tpu.memory_space<vmem>>) semaphore(%arg17 : memref<!tpu.dma_semaphore, #tpu.memory_space<semaphore_mem>>)
    %scan3A_89 = arith.constant 0 : i32
    %scan3A_90 = arith.constant 0 : i32
    %scan3A_91 = arith.constant 39 : i32
    %scan3A_92 = arith.addi %scan3A_90, %scan3A_91 : i32
    %scan3A_93 = arith.constant 1 : i32
    scf.for %scan3A_149 = %scan3A_90 to %scan3A_92 step %scan3A_93  : i32 {
      %mul3A_150 = arith.constant 2 : i32
      %mul3A_151 = arith.muli %mul3A_150, %scan3A_149 : i32
      %dma_wait3A_152 = arith.constant 0 : i32
      %dma_wait3A_153 = arith.constant 0 : i32
      %dma_wait3A_154 = arith.constant 0 : i32
      %dma_wait3A_155 = tpu.memref_slice %arg8[%dma_wait3A_152, %dma_wait3A_153, %dma_wait3A_154] : memref<79x1x128xi32, #tpu.memory_space<vmem>> -> memref<1x1x128xi32, #tpu.memory_space<vmem>>
      %dma_wait3A_156 = tpu.memref_squeeze %dma_wait3A_155 : memref<1x1x128xi32, #tpu.memory_space<vmem>> -> memref<128xi32, #tpu.memory_space<vmem>>
      %dma_wait3A_157 = arith.constant 0 : i32
      %dma_wait3A_158 = arith.constant 0 : i32
      %dma_wait3A_159 = tpu.memref_slice %arg2[%dma_wait3A_157, %dma_wait3A_158] : memref<10112x128xf32, #tpu.memory_space<hbm>> -> memref<10112x128xf32, #tpu.memory_space<hbm>>
      tpu.wait_indirect_dma semaphore(%arg16 : memref<!tpu.dma_semaphore, #tpu.memory_space<semaphore_mem>>) src(%dma_wait3A_159 : memref<10112x128xf32, #tpu.memory_space<hbm>>) dst(%arg11 : memref<128x128xf32, #tpu.memory_space<vmem>>)
      %dma_wait3A_160 = arith.constant 0 : i32
      %dma_wait3A_161 = arith.constant 0 : i32
      %dma_wait3A_162 = arith.constant 0 : i32
      %dma_wait3A_163 = tpu.memref_slice %arg4[%add3A, %dma_wait3A_160, %dma_wait3A_161, %dma_wait3A_162] : memref<32x79x1x128xi32, #tpu.memory_space<hbm>> -> memref<1x1x1x128xi32, #tpu.memory_space<hbm>>
      %dma_wait3A_164 = tpu.memref_squeeze %dma_wait3A_163 : memref<1x1x1x128xi32, #tpu.memory_space<hbm>> -> memref<128xi32, #tpu.memory_space<hbm>>
      %dma_wait3A_165 = arith.constant 0 : i32
      %dma_wait3A_166 = tpu.memref_slice %arg4[%add3A, %dma_wait3A_160, %dma_wait3A_161, %dma_wait3A_165] : memref<32x79x1x128xi32, #tpu.memory_space<hbm>> -> memref<1x1x1x128xi32, #tpu.memory_space<hbm>>
      %dma_wait3A_167 = tpu.memref_squeeze %dma_wait3A_166 : memref<1x1x1x128xi32, #tpu.memory_space<hbm>> -> memref<128xi32, #tpu.memory_space<hbm>>
      tpu.wait_dma2 semaphore(%arg20 : memref<!tpu.dma_semaphore, #tpu.memory_space<semaphore_mem>>) src(%dma_wait3A_167 : memref<128xi32, #tpu.memory_space<hbm>>) dst(%arg9 : memref<128xi32, #tpu.memory_space<vmem>>)
      %dma_start3A_168 = arith.constant 0 : i32
      %dma_start3A_169 = arith.constant 0 : i32
      %dma_start3A_170 = tpu.memref_slice %arg24[%dma_start3A_168, %dma_start3A_169] : memref<10112x128xf32, #tpu.memory_space<vmem_shared>> -> memref<10112x128xf32, #tpu.memory_space<vmem_shared>>
      tpu.enqueue_indirect_dma source(%arg11 : memref<128x128xf32, #tpu.memory_space<vmem>>) target(%dma_start3A_170 : memref<10112x128xf32, #tpu.memory_space<vmem_shared>>) offsets(%arg9 : memref<128xi32, #tpu.memory_space<vmem>>) semaphore(%arg18 : memref<!tpu.dma_semaphore, #tpu.memory_space<semaphore_mem>>) {add = true}
      %dma_start3A_171 = arith.constant 0 : i32
      %dma_start3A_172 = tpu.memref_slice %arg15[%dma_start3A_171] : memref<10240xf32, #tpu.memory_space<vmem_shared>> -> memref<10240xf32, #tpu.memory_space<vmem_shared>>
      tpu.enqueue_indirect_dma source(%arg13 : memref<128xf32, #tpu.memory_space<vmem>>) target(%dma_start3A_172 : memref<10240xf32, #tpu.memory_space<vmem_shared>>) offsets(%arg9 : memref<128xi32, #tpu.memory_space<vmem>>) semaphore(%arg22 : memref<!tpu.dma_semaphore, #tpu.memory_space<semaphore_mem>>) {add = true}
      %dma_wait3A_173 = arith.constant 0 : i32
      %dma_wait3A_174 = arith.constant 0 : i32
      %dma_wait3A_175 = arith.constant 0 : i32
      %dma_wait3A_176 = tpu.memref_slice %arg8[%dma_wait3A_173, %dma_wait3A_174, %dma_wait3A_175] : memref<79x1x128xi32, #tpu.memory_space<vmem>> -> memref<1x1x128xi32, #tpu.memory_space<vmem>>
      %dma_wait3A_177 = tpu.memref_squeeze %dma_wait3A_176 : memref<1x1x128xi32, #tpu.memory_space<vmem>> -> memref<128xi32, #tpu.memory_space<vmem>>
      %dma_wait3A_178 = arith.constant 0 : i32
      %dma_wait3A_179 = arith.constant 0 : i32
      %dma_wait3A_180 = tpu.memref_slice %arg2[%dma_wait3A_178, %dma_wait3A_179] : memref<10112x128xf32, #tpu.memory_space<hbm>> -> memref<10112x128xf32, #tpu.memory_space<hbm>>
      tpu.wait_indirect_dma semaphore(%arg17 : memref<!tpu.dma_semaphore, #tpu.memory_space<semaphore_mem>>) src(%dma_wait3A_180 : memref<10112x128xf32, #tpu.memory_space<hbm>>) dst(%arg12 : memref<128x128xf32, #tpu.memory_space<vmem>>)
      %dma_wait3A_181 = arith.constant 0 : i32
      %dma_wait3A_182 = arith.constant 0 : i32
      %dma_wait3A_183 = arith.constant 0 : i32
      %dma_wait3A_184 = tpu.memref_slice %arg4[%add3A, %dma_wait3A_181, %dma_wait3A_182, %dma_wait3A_183] : memref<32x79x1x128xi32, #tpu.memory_space<hbm>> -> memref<1x1x1x128xi32, #tpu.memory_space<hbm>>
      %dma_wait3A_185 = tpu.memref_squeeze %dma_wait3A_184 : memref<1x1x1x128xi32, #tpu.memory_space<hbm>> -> memref<128xi32, #tpu.memory_space<hbm>>
      %dma_wait3A_186 = arith.constant 0 : i32
      %dma_wait3A_187 = tpu.memref_slice %arg4[%add3A, %dma_wait3A_181, %dma_wait3A_182, %dma_wait3A_186] : memref<32x79x1x128xi32, #tpu.memory_space<hbm>> -> memref<1x1x1x128xi32, #tpu.memory_space<hbm>>
      %dma_wait3A_188 = tpu.memref_squeeze %dma_wait3A_187 : memref<1x1x1x128xi32, #tpu.memory_space<hbm>> -> memref<128xi32, #tpu.memory_space<hbm>>
      tpu.wait_dma2 semaphore(%arg21 : memref<!tpu.dma_semaphore, #tpu.memory_space<semaphore_mem>>) src(%dma_wait3A_188 : memref<128xi32, #tpu.memory_space<hbm>>) dst(%arg10 : memref<128xi32, #tpu.memory_space<vmem>>)
      %dma_start3A_189 = arith.constant 0 : i32
      %dma_start3A_190 = arith.constant 0 : i32
      %dma_start3A_191 = tpu.memref_slice %arg24[%dma_start3A_189, %dma_start3A_190] : memref<10112x128xf32, #tpu.memory_space<vmem_shared>> -> memref<10112x128xf32, #tpu.memory_space<vmem_shared>>
      tpu.enqueue_indirect_dma source(%arg12 : memref<128x128xf32, #tpu.memory_space<vmem>>) target(%dma_start3A_191 : memref<10112x128xf32, #tpu.memory_space<vmem_shared>>) offsets(%arg10 : memref<128xi32, #tpu.memory_space<vmem>>) semaphore(%arg19 : memref<!tpu.dma_semaphore, #tpu.memory_space<semaphore_mem>>) {add = true}
      %dma_start3A_192 = arith.constant 0 : i32
      %dma_start3A_193 = tpu.memref_slice %arg15[%dma_start3A_192] : memref<10240xf32, #tpu.memory_space<vmem_shared>> -> memref<10240xf32, #tpu.memory_space<vmem_shared>>
      tpu.enqueue_indirect_dma source(%arg13 : memref<128xf32, #tpu.memory_space<vmem>>) target(%dma_start3A_193 : memref<10240xf32, #tpu.memory_space<vmem_shared>>) offsets(%arg10 : memref<128xi32, #tpu.memory_space<vmem>>) semaphore(%arg23 : memref<!tpu.dma_semaphore, #tpu.memory_space<semaphore_mem>>) {add = true}
      %lt3A = arith.constant 38 : i32
      %lt3A_194 = arith.cmpi slt, %scan3A_149, %lt3A : i32
      %convert_element_type3A = arith.extui %lt3A_194 : i1 to i32
      %cond3A = arith.constant 0 : i32
      %cond3A_195 = arith.cmpi ne, %convert_element_type3A, %cond3A : i32
      scf.if %cond3A_195 {
        %dma_wait3A_196 = arith.constant 0 : i32
        %dma_wait3A_197 = arith.constant 0 : i32
        %dma_wait3A_198 = tpu.memref_slice %arg24[%dma_wait3A_196, %dma_wait3A_197] : memref<10112x128xf32, #tpu.memory_space<vmem_shared>> -> memref<10112x128xf32, #tpu.memory_space<vmem_shared>>
        tpu.wait_indirect_dma semaphore(%arg18 : memref<!tpu.dma_semaphore, #tpu.memory_space<semaphore_mem>>) src(%arg11 : memref<128x128xf32, #tpu.memory_space<vmem>>) dst(%dma_wait3A_198 : memref<10112x128xf32, #tpu.memory_space<vmem_shared>>)
        %dma_wait3A_199 = arith.constant 0 : i32
        %dma_wait3A_200 = tpu.memref_slice %arg15[%dma_wait3A_199] : memref<10240xf32, #tpu.memory_space<vmem_shared>> -> memref<10240xf32, #tpu.memory_space<vmem_shared>>
        tpu.wait_indirect_dma semaphore(%arg22 : memref<!tpu.dma_semaphore, #tpu.memory_space<semaphore_mem>>) src(%arg13 : memref<128xf32, #tpu.memory_space<vmem>>) dst(%dma_wait3A_200 : memref<10240xf32, #tpu.memory_space<vmem_shared>>)
        %add3A_201 = arith.constant 2 : i32
        %add3A_202 = arith.addi %mul3A_151, %add3A_201 : i32
        %dma_start3A_203 = arith.constant 0 : i32
        %dma_start3A_204 = arith.constant 0 : i32
        %dma_start3A_205 = tpu.memref_slice %arg4[%add3A, %add3A_202, %dma_start3A_203, %dma_start3A_204] : memref<32x79x1x128xi32, #tpu.memory_space<hbm>> -> memref<1x1x1x128xi32, #tpu.memory_space<hbm>>
        %dma_start3A_206 = tpu.memref_squeeze %dma_start3A_205 : memref<1x1x1x128xi32, #tpu.memory_space<hbm>> -> memref<128xi32, #tpu.memory_space<hbm>>
        %dma_start3A_207 = arith.constant 0 : i32
        %dma_start3A_208 = tpu.memref_slice %arg4[%add3A, %add3A_202, %dma_start3A_203, %dma_start3A_207] : memref<32x79x1x128xi32, #tpu.memory_space<hbm>> -> memref<1x1x1x128xi32, #tpu.memory_space<hbm>>
        %dma_start3A_209 = tpu.memref_squeeze %dma_start3A_208 : memref<1x1x1x128xi32, #tpu.memory_space<hbm>> -> memref<128xi32, #tpu.memory_space<hbm>>
        tpu.enqueue_dma source(%dma_start3A_209 : memref<128xi32, #tpu.memory_space<hbm>>) target(%arg9 : memref<128xi32, #tpu.memory_space<vmem>>) target_semaphore(%arg20 : memref<!tpu.dma_semaphore, #tpu.memory_space<semaphore_mem>>)
        %add3A_210 = arith.constant 2 : i32
        %add3A_211 = arith.addi %mul3A_151, %add3A_210 : i32
        %dma_start3A_212 = arith.constant 0 : i32
        %dma_start3A_213 = arith.constant 0 : i32
        %dma_start3A_214 = tpu.memref_slice %arg8[%add3A_211, %dma_start3A_212, %dma_start3A_213] : memref<79x1x128xi32, #tpu.memory_space<vmem>> -> memref<1x1x128xi32, #tpu.memory_space<vmem>>
        %dma_start3A_215 = tpu.memref_squeeze %dma_start3A_214 : memref<1x1x128xi32, #tpu.memory_space<vmem>> -> memref<128xi32, #tpu.memory_space<vmem>>
        %dma_start3A_216 = arith.constant 0 : i32
        %dma_start3A_217 = arith.constant 0 : i32
        %dma_start3A_218 = tpu.memref_slice %arg2[%dma_start3A_216, %dma_start3A_217] : memref<10112x128xf32, #tpu.memory_space<hbm>> -> memref<10112x128xf32, #tpu.memory_space<hbm>>
        tpu.enqueue_indirect_dma source(%dma_start3A_218 : memref<10112x128xf32, #tpu.memory_space<hbm>>) target(%arg11 : memref<128x128xf32, #tpu.memory_space<vmem>>) offsets(%dma_start3A_215 : memref<128xi32, #tpu.memory_space<vmem>>) semaphore(%arg16 : memref<!tpu.dma_semaphore, #tpu.memory_space<semaphore_mem>>)
        %dma_wait3A_219 = arith.constant 0 : i32
        %dma_wait3A_220 = arith.constant 0 : i32
        %dma_wait3A_221 = tpu.memref_slice %arg24[%dma_wait3A_219, %dma_wait3A_220] : memref<10112x128xf32, #tpu.memory_space<vmem_shared>> -> memref<10112x128xf32, #tpu.memory_space<vmem_shared>>
        tpu.wait_indirect_dma semaphore(%arg19 : memref<!tpu.dma_semaphore, #tpu.memory_space<semaphore_mem>>) src(%arg12 : memref<128x128xf32, #tpu.memory_space<vmem>>) dst(%dma_wait3A_221 : memref<10112x128xf32, #tpu.memory_space<vmem_shared>>)
        %dma_wait3A_222 = arith.constant 0 : i32
        %dma_wait3A_223 = tpu.memref_slice %arg15[%dma_wait3A_222] : memref<10240xf32, #tpu.memory_space<vmem_shared>> -> memref<10240xf32, #tpu.memory_space<vmem_shared>>
        tpu.wait_indirect_dma semaphore(%arg23 : memref<!tpu.dma_semaphore, #tpu.memory_space<semaphore_mem>>) src(%arg13 : memref<128xf32, #tpu.memory_space<vmem>>) dst(%dma_wait3A_223 : memref<10240xf32, #tpu.memory_space<vmem_shared>>)
        %add3A_224 = arith.constant 3 : i32
        %add3A_225 = arith.addi %mul3A_151, %add3A_224 : i32
        %dma_start3A_226 = arith.constant 0 : i32
        %dma_start3A_227 = arith.constant 0 : i32
        %dma_start3A_228 = tpu.memref_slice %arg4[%add3A, %add3A_225, %dma_start3A_226, %dma_start3A_227] : memref<32x79x1x128xi32, #tpu.memory_space<hbm>> -> memref<1x1x1x128xi32, #tpu.memory_space<hbm>>
        %dma_start3A_229 = tpu.memref_squeeze %dma_start3A_228 : memref<1x1x1x128xi32, #tpu.memory_space<hbm>> -> memref<128xi32, #tpu.memory_space<hbm>>
        %dma_start3A_230 = arith.constant 0 : i32
        %dma_start3A_231 = tpu.memref_slice %arg4[%add3A, %add3A_225, %dma_start3A_226, %dma_start3A_230] : memref<32x79x1x128xi32, #tpu.memory_space<hbm>> -> memref<1x1x1x128xi32, #tpu.memory_space<hbm>>
        %dma_start3A_232 = tpu.memref_squeeze %dma_start3A_231 : memref<1x1x1x128xi32, #tpu.memory_space<hbm>> -> memref<128xi32, #tpu.memory_space<hbm>>
        tpu.enqueue_dma source(%dma_start3A_232 : memref<128xi32, #tpu.memory_space<hbm>>) target(%arg10 : memref<128xi32, #tpu.memory_space<vmem>>) target_semaphore(%arg21 : memref<!tpu.dma_semaphore, #tpu.memory_space<semaphore_mem>>)
        %add3A_233 = arith.constant 3 : i32
        %add3A_234 = arith.addi %mul3A_151, %add3A_233 : i32
        %dma_start3A_235 = arith.constant 0 : i32
        %dma_start3A_236 = arith.constant 0 : i32
        %dma_start3A_237 = tpu.memref_slice %arg8[%add3A_234, %dma_start3A_235, %dma_start3A_236] : memref<79x1x128xi32, #tpu.memory_space<vmem>> -> memref<1x1x128xi32, #tpu.memory_space<vmem>>
        %dma_start3A_238 = tpu.memref_squeeze %dma_start3A_237 : memref<1x1x128xi32, #tpu.memory_space<vmem>> -> memref<128xi32, #tpu.memory_space<vmem>>
        %dma_start3A_239 = arith.constant 0 : i32
        %dma_start3A_240 = arith.constant 0 : i32
        %dma_start3A_241 = tpu.memref_slice %arg2[%dma_start3A_239, %dma_start3A_240] : memref<10112x128xf32, #tpu.memory_space<hbm>> -> memref<10112x128xf32, #tpu.memory_space<hbm>>
        tpu.enqueue_indirect_dma source(%dma_start3A_241 : memref<10112x128xf32, #tpu.memory_space<hbm>>) target(%arg12 : memref<128x128xf32, #tpu.memory_space<vmem>>) offsets(%dma_start3A_238 : memref<128xi32, #tpu.memory_space<vmem>>) semaphore(%arg17 : memref<!tpu.dma_semaphore, #tpu.memory_space<semaphore_mem>>)
      } else {
      }
    }
    %scan3A_94 = arith.constant 39 : i32
    %dma_wait3A = arith.constant 0 : i32
    %dma_wait3A_95 = arith.constant 0 : i32
    %dma_wait3A_96 = tpu.memref_slice %arg24[%dma_wait3A, %dma_wait3A_95] : memref<10112x128xf32, #tpu.memory_space<vmem_shared>> -> memref<10112x128xf32, #tpu.memory_space<vmem_shared>>
    tpu.wait_indirect_dma semaphore(%arg18 : memref<!tpu.dma_semaphore, #tpu.memory_space<semaphore_mem>>) src(%arg11 : memref<128x128xf32, #tpu.memory_space<vmem>>) dst(%dma_wait3A_96 : memref<10112x128xf32, #tpu.memory_space<vmem_shared>>)
    %dma_wait3A_97 = arith.constant 0 : i32
    %dma_wait3A_98 = tpu.memref_slice %arg15[%dma_wait3A_97] : memref<10240xf32, #tpu.memory_space<vmem_shared>> -> memref<10240xf32, #tpu.memory_space<vmem_shared>>
    tpu.wait_indirect_dma semaphore(%arg22 : memref<!tpu.dma_semaphore, #tpu.memory_space<semaphore_mem>>) src(%arg13 : memref<128xf32, #tpu.memory_space<vmem>>) dst(%dma_wait3A_98 : memref<10240xf32, #tpu.memory_space<vmem_shared>>)
    %dma_wait3A_99 = arith.constant 0 : i32
    %dma_wait3A_100 = arith.constant 0 : i32
    %dma_wait3A_101 = tpu.memref_slice %arg24[%dma_wait3A_99, %dma_wait3A_100] : memref<10112x128xf32, #tpu.memory_space<vmem_shared>> -> memref<10112x128xf32, #tpu.memory_space<vmem_shared>>
    tpu.wait_indirect_dma semaphore(%arg19 : memref<!tpu.dma_semaphore, #tpu.memory_space<semaphore_mem>>) src(%arg12 : memref<128x128xf32, #tpu.memory_space<vmem>>) dst(%dma_wait3A_101 : memref<10112x128xf32, #tpu.memory_space<vmem_shared>>)
    %dma_wait3A_102 = arith.constant 0 : i32
    %dma_wait3A_103 = tpu.memref_slice %arg15[%dma_wait3A_102] : memref<10240xf32, #tpu.memory_space<vmem_shared>> -> memref<10240xf32, #tpu.memory_space<vmem_shared>>
    tpu.wait_indirect_dma semaphore(%arg23 : memref<!tpu.dma_semaphore, #tpu.memory_space<semaphore_mem>>) src(%arg13 : memref<128xf32, #tpu.memory_space<vmem>>) dst(%dma_wait3A_103 : memref<10240xf32, #tpu.memory_space<vmem_shared>>)
    %dma_start3A_104 = arith.constant 78 : i32
    %dma_start3A_105 = arith.constant 0 : i32
    %dma_start3A_106 = arith.constant 0 : i32
    %dma_start3A_107 = tpu.memref_slice %arg4[%add3A, %dma_start3A_104, %dma_start3A_105, %dma_start3A_106] : memref<32x79x1x128xi32, #tpu.memory_space<hbm>> -> memref<1x1x1x128xi32, #tpu.memory_space<hbm>>
    %dma_start3A_108 = tpu.memref_squeeze %dma_start3A_107 : memref<1x1x1x128xi32, #tpu.memory_space<hbm>> -> memref<128xi32, #tpu.memory_space<hbm>>
    %dma_start3A_109 = arith.constant 0 : i32
    %dma_start3A_110 = tpu.memref_slice %arg4[%add3A, %dma_start3A_104, %dma_start3A_105, %dma_start3A_109] : memref<32x79x1x128xi32, #tpu.memory_space<hbm>> -> memref<1x1x1x128xi32, #tpu.memory_space<hbm>>
    %dma_start3A_111 = tpu.memref_squeeze %dma_start3A_110 : memref<1x1x1x128xi32, #tpu.memory_space<hbm>> -> memref<128xi32, #tpu.memory_space<hbm>>
    tpu.enqueue_dma source(%dma_start3A_111 : memref<128xi32, #tpu.memory_space<hbm>>) target(%arg9 : memref<128xi32, #tpu.memory_space<vmem>>) target_semaphore(%arg20 : memref<!tpu.dma_semaphore, #tpu.memory_space<semaphore_mem>>)
    %dma_start3A_112 = arith.constant 78 : i32
    %dma_start3A_113 = arith.constant 0 : i32
    %dma_start3A_114 = arith.constant 0 : i32
    %dma_start3A_115 = tpu.memref_slice %arg8[%dma_start3A_112, %dma_start3A_113, %dma_start3A_114] : memref<79x1x128xi32, #tpu.memory_space<vmem>> -> memref<1x1x128xi32, #tpu.memory_space<vmem>>
    %dma_start3A_116 = tpu.memref_squeeze %dma_start3A_115 : memref<1x1x128xi32, #tpu.memory_space<vmem>> -> memref<128xi32, #tpu.memory_space<vmem>>
    %dma_start3A_117 = arith.constant 0 : i32
    %dma_start3A_118 = arith.constant 0 : i32
    %dma_start3A_119 = tpu.memref_slice %arg2[%dma_start3A_117, %dma_start3A_118] : memref<10112x128xf32, #tpu.memory_space<hbm>> -> memref<10112x128xf32, #tpu.memory_space<hbm>>
    tpu.enqueue_indirect_dma source(%dma_start3A_119 : memref<10112x128xf32, #tpu.memory_space<hbm>>) target(%arg11 : memref<128x128xf32, #tpu.memory_space<vmem>>) offsets(%dma_start3A_116 : memref<128xi32, #tpu.memory_space<vmem>>) semaphore(%arg16 : memref<!tpu.dma_semaphore, #tpu.memory_space<semaphore_mem>>)
    %dma_wait3A_120 = arith.constant 0 : i32
    %dma_wait3A_121 = arith.constant 0 : i32
    %dma_wait3A_122 = arith.constant 0 : i32
    %dma_wait3A_123 = tpu.memref_slice %arg8[%dma_wait3A_120, %dma_wait3A_121, %dma_wait3A_122] : memref<79x1x128xi32, #tpu.memory_space<vmem>> -> memref<1x1x128xi32, #tpu.memory_space<vmem>>
    %dma_wait3A_124 = tpu.memref_squeeze %dma_wait3A_123 : memref<1x1x128xi32, #tpu.memory_space<vmem>> -> memref<128xi32, #tpu.memory_space<vmem>>
    %dma_wait3A_125 = arith.constant 0 : i32
    %dma_wait3A_126 = arith.constant 0 : i32
    %dma_wait3A_127 = tpu.memref_slice %arg2[%dma_wait3A_125, %dma_wait3A_126] : memref<10112x128xf32, #tpu.memory_space<hbm>> -> memref<10112x128xf32, #tpu.memory_space<hbm>>
    tpu.wait_indirect_dma semaphore(%arg16 : memref<!tpu.dma_semaphore, #tpu.memory_space<semaphore_mem>>) src(%dma_wait3A_127 : memref<10112x128xf32, #tpu.memory_space<hbm>>) dst(%arg11 : memref<128x128xf32, #tpu.memory_space<vmem>>)
    %dma_wait3A_128 = arith.constant 0 : i32
    %dma_wait3A_129 = arith.constant 0 : i32
    %dma_wait3A_130 = arith.constant 0 : i32
    %dma_wait3A_131 = tpu.memref_slice %arg4[%add3A, %dma_wait3A_128, %dma_wait3A_129, %dma_wait3A_130] : memref<32x79x1x128xi32, #tpu.memory_space<hbm>> -> memref<1x1x1x128xi32, #tpu.memory_space<hbm>>
    %dma_wait3A_132 = tpu.memref_squeeze %dma_wait3A_131 : memref<1x1x1x128xi32, #tpu.memory_space<hbm>> -> memref<128xi32, #tpu.memory_space<hbm>>
    %dma_wait3A_133 = arith.constant 0 : i32
    %dma_wait3A_134 = tpu.memref_slice %arg4[%add3A, %dma_wait3A_128, %dma_wait3A_129, %dma_wait3A_133] : memref<32x79x1x128xi32, #tpu.memory_space<hbm>> -> memref<1x1x1x128xi32, #tpu.memory_space<hbm>>
    %dma_wait3A_135 = tpu.memref_squeeze %dma_wait3A_134 : memref<1x1x1x128xi32, #tpu.memory_space<hbm>> -> memref<128xi32, #tpu.memory_space<hbm>>
    tpu.wait_dma2 semaphore(%arg20 : memref<!tpu.dma_semaphore, #tpu.memory_space<semaphore_mem>>) src(%dma_wait3A_135 : memref<128xi32, #tpu.memory_space<hbm>>) dst(%arg9 : memref<128xi32, #tpu.memory_space<vmem>>)
    "tpu.region"() ({
      %run_scoped3A = tpu.sem_alloc : memref<!tpu.dma_semaphore, #tpu.memory_space<semaphore_mem>>
      %dma_start3A_149 = arith.constant 0 : i32
      %dma_start3A_150 = arith.constant 0 : i32
      %dma_start3A_151 = tpu.memref_slice %arg24[%dma_start3A_149, %dma_start3A_150] : memref<10112x128xf32, #tpu.memory_space<vmem_shared>> -> memref<10112x128xf32, #tpu.memory_space<vmem_shared>>
      tpu.enqueue_indirect_dma source(%arg11 : memref<128x128xf32, #tpu.memory_space<vmem>>) target(%dma_start3A_151 : memref<10112x128xf32, #tpu.memory_space<vmem_shared>>) offsets(%arg9 : memref<128xi32, #tpu.memory_space<vmem>>) semaphore(%run_scoped3A : memref<!tpu.dma_semaphore, #tpu.memory_space<semaphore_mem>>) {add = true}
      %dma_wait3A_152 = arith.constant 0 : i32
      %dma_wait3A_153 = arith.constant 0 : i32
      %dma_wait3A_154 = tpu.memref_slice %arg24[%dma_wait3A_152, %dma_wait3A_153] : memref<10112x128xf32, #tpu.memory_space<vmem_shared>> -> memref<10112x128xf32, #tpu.memory_space<vmem_shared>>
      tpu.wait_indirect_dma semaphore(%run_scoped3A : memref<!tpu.dma_semaphore, #tpu.memory_space<semaphore_mem>>) src(%arg11 : memref<128x128xf32, #tpu.memory_space<vmem>>) dst(%dma_wait3A_154 : memref<10112x128xf32, #tpu.memory_space<vmem_shared>>)
      tpu.yield
    }) : () -> ()
    %dma_start3A_136 = arith.constant 0 : i32
    %dma_start3A_137 = tpu.memref_slice %arg15[%dma_start3A_136] : memref<10240xf32, #tpu.memory_space<vmem_shared>> -> memref<10240xf32, #tpu.memory_space<vmem_shared>>
    tpu.enqueue_indirect_dma source(%arg13 : memref<128xf32, #tpu.memory_space<vmem>>) target(%dma_start3A_137 : memref<10240xf32, #tpu.memory_space<vmem_shared>>) offsets(%arg9 : memref<128xi32, #tpu.memory_space<vmem>>) semaphore(%arg22 : memref<!tpu.dma_semaphore, #tpu.memory_space<semaphore_mem>>) {add = true}
    %dma_wait3A_138 = arith.constant 0 : i32
    %dma_wait3A_139 = tpu.memref_slice %arg15[%dma_wait3A_138] : memref<10240xf32, #tpu.memory_space<vmem_shared>> -> memref<10240xf32, #tpu.memory_space<vmem_shared>>
    tpu.wait_indirect_dma semaphore(%arg22 : memref<!tpu.dma_semaphore, #tpu.memory_space<semaphore_mem>>) src(%arg13 : memref<128xf32, #tpu.memory_space<vmem>>) dst(%dma_wait3A_139 : memref<10240xf32, #tpu.memory_space<vmem_shared>>)
    %barrier3A_140 = arith.constant 0 : index
    tpu.barrier barrier_id(%barrier3A_140)
    %mul3A_141 = arith.constant 632 : i32
    %mul3A_142 = arith.muli %arg1, %mul3A_141 : i32
    %mul3A_143 = arith.constant 632 : i32
    %mul3A_144 = arith.muli %arg1, %mul3A_143 : i32
    "tpu.region"() ({
      %run_scoped3A = tpu.sem_alloc : memref<!tpu.dma_semaphore, #tpu.memory_space<semaphore_mem>>
      %dma_start3A_149 = arith.constant 0 : i32
      %dma_start3A_150 = tpu.memref_slice %arg6[%arg0, %mul3A_144, %dma_start3A_149] : memref<2x10112x128xf32, #tpu.memory_space<hbm>> -> memref<1x632x128xf32, #tpu.memory_space<hbm>>
      %dma_start3A_151 = tpu.memref_squeeze %dma_start3A_150 : memref<1x632x128xf32, #tpu.memory_space<hbm>> -> memref<632x128xf32, #tpu.memory_space<hbm>>
      %dma_start3A_152 = arith.constant 0 : i32
      %dma_start3A_153 = tpu.memref_slice %arg24[%mul3A_142, %dma_start3A_152] : memref<10112x128xf32, #tpu.memory_space<vmem_shared>> -> memref<632x128xf32, #tpu.memory_space<vmem_shared>>
      tpu.enqueue_dma source(%dma_start3A_153 : memref<632x128xf32, #tpu.memory_space<vmem_shared>>) target(%dma_start3A_151 : memref<632x128xf32, #tpu.memory_space<hbm>>) target_semaphore(%run_scoped3A : memref<!tpu.dma_semaphore, #tpu.memory_space<semaphore_mem>>)
      %dma_wait3A_154 = arith.constant 0 : i32
      %dma_wait3A_155 = tpu.memref_slice %arg6[%arg0, %mul3A_144, %dma_wait3A_154] : memref<2x10112x128xf32, #tpu.memory_space<hbm>> -> memref<1x632x128xf32, #tpu.memory_space<hbm>>
      %dma_wait3A_156 = tpu.memref_squeeze %dma_wait3A_155 : memref<1x632x128xf32, #tpu.memory_space<hbm>> -> memref<632x128xf32, #tpu.memory_space<hbm>>
      %dma_wait3A_157 = arith.constant 0 : i32
      %dma_wait3A_158 = tpu.memref_slice %arg24[%mul3A_142, %dma_wait3A_157] : memref<10112x128xf32, #tpu.memory_space<vmem_shared>> -> memref<632x128xf32, #tpu.memory_space<vmem_shared>>
      tpu.wait_dma2 semaphore(%run_scoped3A : memref<!tpu.dma_semaphore, #tpu.memory_space<semaphore_mem>>) src(%dma_wait3A_158 : memref<632x128xf32, #tpu.memory_space<vmem_shared>>) dst(%dma_wait3A_156 : memref<632x128xf32, #tpu.memory_space<hbm>>)
      tpu.yield
    }) : () -> ()
    %mul3A_145 = arith.constant 640 : i32
    %mul3A_146 = arith.muli %arg1, %mul3A_145 : i32
    %mul3A_147 = arith.constant 640 : i32
    %mul3A_148 = arith.muli %arg1, %mul3A_147 : i32
    "tpu.region"() ({
      %run_scoped3A = tpu.sem_alloc : memref<!tpu.dma_semaphore, #tpu.memory_space<semaphore_mem>>
      %dma_start3A_149 = tpu.memref_slice %arg7[%arg0, %mul3A_148] : memref<2x10240xf32, #tpu.memory_space<hbm>> -> memref<1x640xf32, #tpu.memory_space<hbm>>
      %dma_start3A_150 = tpu.memref_squeeze %dma_start3A_149 : memref<1x640xf32, #tpu.memory_space<hbm>> -> memref<640xf32, #tpu.memory_space<hbm>>
      %dma_start3A_151 = tpu.memref_slice %arg15[%mul3A_146] : memref<10240xf32, #tpu.memory_space<vmem_shared>> -> memref<640xf32, #tpu.memory_space<vmem_shared>>
      tpu.enqueue_dma source(%dma_start3A_151 : memref<640xf32, #tpu.memory_space<vmem_shared>>) target(%dma_start3A_150 : memref<640xf32, #tpu.memory_space<hbm>>) target_semaphore(%run_scoped3A : memref<!tpu.dma_semaphore, #tpu.memory_space<semaphore_mem>>)
      %dma_wait3A_152 = tpu.memref_slice %arg7[%arg0, %mul3A_148] : memref<2x10240xf32, #tpu.memory_space<hbm>> -> memref<1x640xf32, #tpu.memory_space<hbm>>
      %dma_wait3A_153 = tpu.memref_squeeze %dma_wait3A_152 : memref<1x640xf32, #tpu.memory_space<hbm>> -> memref<640xf32, #tpu.memory_space<hbm>>
      %dma_wait3A_154 = tpu.memref_slice %arg15[%mul3A_146] : memref<10240xf32, #tpu.memory_space<vmem_shared>> -> memref<640xf32, #tpu.memory_space<vmem_shared>>
      tpu.wait_dma2 semaphore(%run_scoped3A : memref<!tpu.dma_semaphore, #tpu.memory_space<semaphore_mem>>) src(%dma_wait3A_154 : memref<640xf32, #tpu.memory_space<vmem_shared>>) dst(%dma_wait3A_153 : memref<640xf32, #tpu.memory_space<hbm>>)
      tpu.yield
    }) : () -> ()
    return
  }
}

#map = affine_map<(d0, d1) -> (0, 0)>
#map1 = affine_map<(d0, d1) -> (0, 0, 0, 0)>
#map2 = affine_map<(d0, d1) -> (0, 0, 0)>
module attributes {stable_mosaic.version = 14 : i64} {
  func.func @body(%arg0: i32, %arg1: i32, %arg2: memref<10112x128xf32, #tpu.memory_space<hbm>>, %arg3: memref<32x79x1x128xi32, #tpu.memory_space<hbm>>, %arg4: memref<32x79x1x128xi32, #tpu.memory_space<hbm>>, %arg5: memref<10112x128xf32, #tpu.memory_space<hbm>>, %arg6: memref<2x10112x128xf32, #tpu.memory_space<hbm>>, %arg7: memref<79x1x128xi32, #tpu.memory_space<vmem>>, %arg8: memref<128xi32, #tpu.memory_space<vmem>>, %arg9: memref<128xi32, #tpu.memory_space<vmem>>, %arg10: memref<128x128xf32, #tpu.memory_space<vmem>>, %arg11: memref<128x128xf32, #tpu.memory_space<vmem>>, %arg12: memref<!tpu.dma_semaphore, #tpu.memory_space<semaphore_mem>>, %arg13: memref<!tpu.dma_semaphore, #tpu.memory_space<semaphore_mem>>, %arg14: memref<!tpu.dma_semaphore, #tpu.memory_space<semaphore_mem>>, %arg15: memref<!tpu.dma_semaphore, #tpu.memory_space<semaphore_mem>>, %arg16: memref<!tpu.dma_semaphore, #tpu.memory_space<semaphore_mem>>, %arg17: memref<!tpu.dma_semaphore, #tpu.memory_space<semaphore_mem>>, %arg18: memref<10112x128xf32, #tpu.memory_space<vmem_shared>>) attributes {dimension_semantics = [#tpu.dimension_semantics<core_parallel>, #tpu.dimension_semantics<subcore_parallel>], iteration_bounds = array<i64: 2, 16>, scalar_prefetch = 0 : i64, scratch_operands = 12 : i64, tpu.core_type = #tpu.core_type<sc_vector_subcore>, window_params = [{transform_indices = #map}, {transform_indices = #map1}, {transform_indices = #map1}, {transform_indices = #map}, {transform_indices = #map2}]} {
    %mul3A = arith.constant 16 : i32
    %mul3A_0 = arith.muli %arg0, %mul3A : i32
    %add3A = arith.addi %mul3A_0, %arg1 : i32
    "tpu.region"() ({
      %run_scoped3A = tpu.sem_alloc : memref<!tpu.dma_semaphore, #tpu.memory_space<semaphore_mem>>
      %dma_start3A_83 = arith.constant 0 : i32
      %dma_start3A_84 = arith.constant 0 : i32
      %dma_start3A_85 = arith.constant 0 : i32
      %dma_start3A_86 = tpu.memref_slice %arg3[%add3A, %dma_start3A_83, %dma_start3A_84, %dma_start3A_85] : memref<32x79x1x128xi32, #tpu.memory_space<hbm>> -> memref<1x79x1x128xi32, #tpu.memory_space<hbm>>
      %dma_start3A_87 = tpu.memref_squeeze %dma_start3A_86 : memref<1x79x1x128xi32, #tpu.memory_space<hbm>> -> memref<79x1x128xi32, #tpu.memory_space<hbm>>
      %dma_start3A_88 = arith.constant 0 : i32
      %dma_start3A_89 = arith.constant 0 : i32
      %dma_start3A_90 = arith.constant 0 : i32
      %dma_start3A_91 = tpu.memref_slice %arg3[%add3A, %dma_start3A_88, %dma_start3A_89, %dma_start3A_90] : memref<32x79x1x128xi32, #tpu.memory_space<hbm>> -> memref<1x79x1x128xi32, #tpu.memory_space<hbm>>
      %dma_start3A_92 = tpu.memref_squeeze %dma_start3A_91 : memref<1x79x1x128xi32, #tpu.memory_space<hbm>> -> memref<79x1x128xi32, #tpu.memory_space<hbm>>
      tpu.enqueue_dma source(%dma_start3A_92 : memref<79x1x128xi32, #tpu.memory_space<hbm>>) target(%arg7 : memref<79x1x128xi32, #tpu.memory_space<vmem>>) target_semaphore(%run_scoped3A : memref<!tpu.dma_semaphore, #tpu.memory_space<semaphore_mem>>)
      %dma_wait3A_93 = arith.constant 0 : i32
      %dma_wait3A_94 = arith.constant 0 : i32
      %dma_wait3A_95 = arith.constant 0 : i32
      %dma_wait3A_96 = tpu.memref_slice %arg3[%add3A, %dma_wait3A_93, %dma_wait3A_94, %dma_wait3A_95] : memref<32x79x1x128xi32, #tpu.memory_space<hbm>> -> memref<1x79x1x128xi32, #tpu.memory_space<hbm>>
      %dma_wait3A_97 = tpu.memref_squeeze %dma_wait3A_96 : memref<1x79x1x128xi32, #tpu.memory_space<hbm>> -> memref<79x1x128xi32, #tpu.memory_space<hbm>>
      %dma_wait3A_98 = arith.constant 0 : i32
      %dma_wait3A_99 = arith.constant 0 : i32
      %dma_wait3A_100 = arith.constant 0 : i32
      %dma_wait3A_101 = tpu.memref_slice %arg3[%add3A, %dma_wait3A_98, %dma_wait3A_99, %dma_wait3A_100] : memref<32x79x1x128xi32, #tpu.memory_space<hbm>> -> memref<1x79x1x128xi32, #tpu.memory_space<hbm>>
      %dma_wait3A_102 = tpu.memref_squeeze %dma_wait3A_101 : memref<1x79x1x128xi32, #tpu.memory_space<hbm>> -> memref<79x1x128xi32, #tpu.memory_space<hbm>>
      tpu.wait_dma2 semaphore(%run_scoped3A : memref<!tpu.dma_semaphore, #tpu.memory_space<semaphore_mem>>) src(%dma_wait3A_102 : memref<79x1x128xi32, #tpu.memory_space<hbm>>) dst(%arg7 : memref<79x1x128xi32, #tpu.memory_space<vmem>>)
      tpu.yield
    }) : () -> ()
    %mul3A_1 = arith.constant 632 : i32
    %mul3A_2 = arith.muli %arg1, %mul3A_1 : i32
    %mul3A_3 = arith.constant 632 : i32
    %mul3A_4 = arith.muli %arg1, %mul3A_3 : i32
    "tpu.region"() ({
      %run_scoped3A = tpu.sem_alloc : memref<!tpu.dma_semaphore, #tpu.memory_space<semaphore_mem>>
      %dma_start3A_83 = arith.constant 0 : i32
      %dma_start3A_84 = tpu.memref_slice %arg18[%mul3A_4, %dma_start3A_83] : memref<10112x128xf32, #tpu.memory_space<vmem_shared>> -> memref<632x128xf32, #tpu.memory_space<vmem_shared>>
      %dma_start3A_85 = arith.constant 0 : i32
      %dma_start3A_86 = tpu.memref_slice %arg5[%mul3A_2, %dma_start3A_85] : memref<10112x128xf32, #tpu.memory_space<hbm>> -> memref<632x128xf32, #tpu.memory_space<hbm>>
      tpu.enqueue_dma source(%dma_start3A_86 : memref<632x128xf32, #tpu.memory_space<hbm>>) target(%dma_start3A_84 : memref<632x128xf32, #tpu.memory_space<vmem_shared>>) target_semaphore(%run_scoped3A : memref<!tpu.dma_semaphore, #tpu.memory_space<semaphore_mem>>)
      %dma_wait3A_87 = arith.constant 0 : i32
      %dma_wait3A_88 = tpu.memref_slice %arg18[%mul3A_4, %dma_wait3A_87] : memref<10112x128xf32, #tpu.memory_space<vmem_shared>> -> memref<632x128xf32, #tpu.memory_space<vmem_shared>>
      %dma_wait3A_89 = arith.constant 0 : i32
      %dma_wait3A_90 = tpu.memref_slice %arg5[%mul3A_2, %dma_wait3A_89] : memref<10112x128xf32, #tpu.memory_space<hbm>> -> memref<632x128xf32, #tpu.memory_space<hbm>>
      tpu.wait_dma2 semaphore(%run_scoped3A : memref<!tpu.dma_semaphore, #tpu.memory_space<semaphore_mem>>) src(%dma_wait3A_90 : memref<632x128xf32, #tpu.memory_space<hbm>>) dst(%dma_wait3A_88 : memref<632x128xf32, #tpu.memory_space<vmem_shared>>)
      tpu.yield
    }) : () -> ()
    %barrier3A = arith.constant 0 : index
    tpu.barrier barrier_id(%barrier3A)
    %dma_start3A = arith.constant 0 : i32
    %dma_start3A_5 = arith.constant 0 : i32
    %dma_start3A_6 = arith.constant 0 : i32
    %dma_start3A_7 = tpu.memref_slice %arg4[%add3A, %dma_start3A, %dma_start3A_5, %dma_start3A_6] : memref<32x79x1x128xi32, #tpu.memory_space<hbm>> -> memref<1x1x1x128xi32, #tpu.memory_space<hbm>>
    %dma_start3A_8 = tpu.memref_squeeze %dma_start3A_7 : memref<1x1x1x128xi32, #tpu.memory_space<hbm>> -> memref<128xi32, #tpu.memory_space<hbm>>
    %dma_start3A_9 = arith.constant 0 : i32
    %dma_start3A_10 = tpu.memref_slice %arg4[%add3A, %dma_start3A, %dma_start3A_5, %dma_start3A_9] : memref<32x79x1x128xi32, #tpu.memory_space<hbm>> -> memref<1x1x1x128xi32, #tpu.memory_space<hbm>>
    %dma_start3A_11 = tpu.memref_squeeze %dma_start3A_10 : memref<1x1x1x128xi32, #tpu.memory_space<hbm>> -> memref<128xi32, #tpu.memory_space<hbm>>
    tpu.enqueue_dma source(%dma_start3A_11 : memref<128xi32, #tpu.memory_space<hbm>>) target(%arg8 : memref<128xi32, #tpu.memory_space<vmem>>) target_semaphore(%arg16 : memref<!tpu.dma_semaphore, #tpu.memory_space<semaphore_mem>>)
    %dma_start3A_12 = arith.constant 1 : i32
    %dma_start3A_13 = arith.constant 0 : i32
    %dma_start3A_14 = arith.constant 0 : i32
    %dma_start3A_15 = tpu.memref_slice %arg4[%add3A, %dma_start3A_12, %dma_start3A_13, %dma_start3A_14] : memref<32x79x1x128xi32, #tpu.memory_space<hbm>> -> memref<1x1x1x128xi32, #tpu.memory_space<hbm>>
    %dma_start3A_16 = tpu.memref_squeeze %dma_start3A_15 : memref<1x1x1x128xi32, #tpu.memory_space<hbm>> -> memref<128xi32, #tpu.memory_space<hbm>>
    %dma_start3A_17 = arith.constant 0 : i32
    %dma_start3A_18 = tpu.memref_slice %arg4[%add3A, %dma_start3A_12, %dma_start3A_13, %dma_start3A_17] : memref<32x79x1x128xi32, #tpu.memory_space<hbm>> -> memref<1x1x1x128xi32, #tpu.memory_space<hbm>>
    %dma_start3A_19 = tpu.memref_squeeze %dma_start3A_18 : memref<1x1x1x128xi32, #tpu.memory_space<hbm>> -> memref<128xi32, #tpu.memory_space<hbm>>
    tpu.enqueue_dma source(%dma_start3A_19 : memref<128xi32, #tpu.memory_space<hbm>>) target(%arg9 : memref<128xi32, #tpu.memory_space<vmem>>) target_semaphore(%arg17 : memref<!tpu.dma_semaphore, #tpu.memory_space<semaphore_mem>>)
    %dma_start3A_20 = arith.constant 0 : i32
    %dma_start3A_21 = arith.constant 0 : i32
    %dma_start3A_22 = arith.constant 0 : i32
    %dma_start3A_23 = tpu.memref_slice %arg7[%dma_start3A_20, %dma_start3A_21, %dma_start3A_22] : memref<79x1x128xi32, #tpu.memory_space<vmem>> -> memref<1x1x128xi32, #tpu.memory_space<vmem>>
    %dma_start3A_24 = tpu.memref_squeeze %dma_start3A_23 : memref<1x1x128xi32, #tpu.memory_space<vmem>> -> memref<128xi32, #tpu.memory_space<vmem>>
    %dma_start3A_25 = arith.constant 0 : i32
    %dma_start3A_26 = arith.constant 0 : i32
    %dma_start3A_27 = tpu.memref_slice %arg2[%dma_start3A_25, %dma_start3A_26] : memref<10112x128xf32, #tpu.memory_space<hbm>> -> memref<10112x128xf32, #tpu.memory_space<hbm>>
    tpu.enqueue_indirect_dma source(%dma_start3A_27 : memref<10112x128xf32, #tpu.memory_space<hbm>>) target(%arg10 : memref<128x128xf32, #tpu.memory_space<vmem>>) offsets(%dma_start3A_24 : memref<128xi32, #tpu.memory_space<vmem>>) semaphore(%arg12 : memref<!tpu.dma_semaphore, #tpu.memory_space<semaphore_mem>>)
    %dma_start3A_28 = arith.constant 1 : i32
    %dma_start3A_29 = arith.constant 0 : i32
    %dma_start3A_30 = arith.constant 0 : i32
    %dma_start3A_31 = tpu.memref_slice %arg7[%dma_start3A_28, %dma_start3A_29, %dma_start3A_30] : memref<79x1x128xi32, #tpu.memory_space<vmem>> -> memref<1x1x128xi32, #tpu.memory_space<vmem>>
    %dma_start3A_32 = tpu.memref_squeeze %dma_start3A_31 : memref<1x1x128xi32, #tpu.memory_space<vmem>> -> memref<128xi32, #tpu.memory_space<vmem>>
    %dma_start3A_33 = arith.constant 0 : i32
    %dma_start3A_34 = arith.constant 0 : i32
    %dma_start3A_35 = tpu.memref_slice %arg2[%dma_start3A_33, %dma_start3A_34] : memref<10112x128xf32, #tpu.memory_space<hbm>> -> memref<10112x128xf32, #tpu.memory_space<hbm>>
    tpu.enqueue_indirect_dma source(%dma_start3A_35 : memref<10112x128xf32, #tpu.memory_space<hbm>>) target(%arg11 : memref<128x128xf32, #tpu.memory_space<vmem>>) offsets(%dma_start3A_32 : memref<128xi32, #tpu.memory_space<vmem>>) semaphore(%arg13 : memref<!tpu.dma_semaphore, #tpu.memory_space<semaphore_mem>>)
    %scan3A = arith.constant 0 : i32
    %scan3A_36 = arith.constant 0 : i32
    %scan3A_37 = arith.constant 39 : i32
    %scan3A_38 = arith.addi %scan3A_36, %scan3A_37 : i32
    %scan3A_39 = arith.constant 1 : i32
    scf.for %scan3A_83 = %scan3A_36 to %scan3A_38 step %scan3A_39  : i32 {
      %mul3A_84 = arith.constant 2 : i32
      %mul3A_85 = arith.muli %mul3A_84, %scan3A_83 : i32
      %dma_wait3A_86 = arith.constant 0 : i32
      %dma_wait3A_87 = arith.constant 0 : i32
      %dma_wait3A_88 = arith.constant 0 : i32
      %dma_wait3A_89 = tpu.memref_slice %arg7[%dma_wait3A_86, %dma_wait3A_87, %dma_wait3A_88] : memref<79x1x128xi32, #tpu.memory_space<vmem>> -> memref<1x1x128xi32, #tpu.memory_space<vmem>>
      %dma_wait3A_90 = tpu.memref_squeeze %dma_wait3A_89 : memref<1x1x128xi32, #tpu.memory_space<vmem>> -> memref<128xi32, #tpu.memory_space<vmem>>
      %dma_wait3A_91 = arith.constant 0 : i32
      %dma_wait3A_92 = arith.constant 0 : i32
      %dma_wait3A_93 = tpu.memref_slice %arg2[%dma_wait3A_91, %dma_wait3A_92] : memref<10112x128xf32, #tpu.memory_space<hbm>> -> memref<10112x128xf32, #tpu.memory_space<hbm>>
      tpu.wait_indirect_dma semaphore(%arg12 : memref<!tpu.dma_semaphore, #tpu.memory_space<semaphore_mem>>) src(%dma_wait3A_93 : memref<10112x128xf32, #tpu.memory_space<hbm>>) dst(%arg10 : memref<128x128xf32, #tpu.memory_space<vmem>>)
      %dma_wait3A_94 = arith.constant 0 : i32
      %dma_wait3A_95 = arith.constant 0 : i32
      %dma_wait3A_96 = arith.constant 0 : i32
      %dma_wait3A_97 = tpu.memref_slice %arg4[%add3A, %dma_wait3A_94, %dma_wait3A_95, %dma_wait3A_96] : memref<32x79x1x128xi32, #tpu.memory_space<hbm>> -> memref<1x1x1x128xi32, #tpu.memory_space<hbm>>
      %dma_wait3A_98 = tpu.memref_squeeze %dma_wait3A_97 : memref<1x1x1x128xi32, #tpu.memory_space<hbm>> -> memref<128xi32, #tpu.memory_space<hbm>>
      %dma_wait3A_99 = arith.constant 0 : i32
      %dma_wait3A_100 = tpu.memref_slice %arg4[%add3A, %dma_wait3A_94, %dma_wait3A_95, %dma_wait3A_99] : memref<32x79x1x128xi32, #tpu.memory_space<hbm>> -> memref<1x1x1x128xi32, #tpu.memory_space<hbm>>
      %dma_wait3A_101 = tpu.memref_squeeze %dma_wait3A_100 : memref<1x1x1x128xi32, #tpu.memory_space<hbm>> -> memref<128xi32, #tpu.memory_space<hbm>>
      tpu.wait_dma2 semaphore(%arg16 : memref<!tpu.dma_semaphore, #tpu.memory_space<semaphore_mem>>) src(%dma_wait3A_101 : memref<128xi32, #tpu.memory_space<hbm>>) dst(%arg8 : memref<128xi32, #tpu.memory_space<vmem>>)
      %dma_start3A_102 = arith.constant 0 : i32
      %dma_start3A_103 = arith.constant 0 : i32
      %dma_start3A_104 = tpu.memref_slice %arg18[%dma_start3A_102, %dma_start3A_103] : memref<10112x128xf32, #tpu.memory_space<vmem_shared>> -> memref<10112x128xf32, #tpu.memory_space<vmem_shared>>
      tpu.enqueue_indirect_dma source(%arg10 : memref<128x128xf32, #tpu.memory_space<vmem>>) target(%dma_start3A_104 : memref<10112x128xf32, #tpu.memory_space<vmem_shared>>) offsets(%arg8 : memref<128xi32, #tpu.memory_space<vmem>>) semaphore(%arg14 : memref<!tpu.dma_semaphore, #tpu.memory_space<semaphore_mem>>) {add = true}
      %dma_wait3A_105 = arith.constant 0 : i32
      %dma_wait3A_106 = arith.constant 0 : i32
      %dma_wait3A_107 = arith.constant 0 : i32
      %dma_wait3A_108 = tpu.memref_slice %arg7[%dma_wait3A_105, %dma_wait3A_106, %dma_wait3A_107] : memref<79x1x128xi32, #tpu.memory_space<vmem>> -> memref<1x1x128xi32, #tpu.memory_space<vmem>>
      %dma_wait3A_109 = tpu.memref_squeeze %dma_wait3A_108 : memref<1x1x128xi32, #tpu.memory_space<vmem>> -> memref<128xi32, #tpu.memory_space<vmem>>
      %dma_wait3A_110 = arith.constant 0 : i32
      %dma_wait3A_111 = arith.constant 0 : i32
      %dma_wait3A_112 = tpu.memref_slice %arg2[%dma_wait3A_110, %dma_wait3A_111] : memref<10112x128xf32, #tpu.memory_space<hbm>> -> memref<10112x128xf32, #tpu.memory_space<hbm>>
      tpu.wait_indirect_dma semaphore(%arg13 : memref<!tpu.dma_semaphore, #tpu.memory_space<semaphore_mem>>) src(%dma_wait3A_112 : memref<10112x128xf32, #tpu.memory_space<hbm>>) dst(%arg11 : memref<128x128xf32, #tpu.memory_space<vmem>>)
      %dma_wait3A_113 = arith.constant 0 : i32
      %dma_wait3A_114 = arith.constant 0 : i32
      %dma_wait3A_115 = arith.constant 0 : i32
      %dma_wait3A_116 = tpu.memref_slice %arg4[%add3A, %dma_wait3A_113, %dma_wait3A_114, %dma_wait3A_115] : memref<32x79x1x128xi32, #tpu.memory_space<hbm>> -> memref<1x1x1x128xi32, #tpu.memory_space<hbm>>
      %dma_wait3A_117 = tpu.memref_squeeze %dma_wait3A_116 : memref<1x1x1x128xi32, #tpu.memory_space<hbm>> -> memref<128xi32, #tpu.memory_space<hbm>>
      %dma_wait3A_118 = arith.constant 0 : i32
      %dma_wait3A_119 = tpu.memref_slice %arg4[%add3A, %dma_wait3A_113, %dma_wait3A_114, %dma_wait3A_118] : memref<32x79x1x128xi32, #tpu.memory_space<hbm>> -> memref<1x1x1x128xi32, #tpu.memory_space<hbm>>
      %dma_wait3A_120 = tpu.memref_squeeze %dma_wait3A_119 : memref<1x1x1x128xi32, #tpu.memory_space<hbm>> -> memref<128xi32, #tpu.memory_space<hbm>>
      tpu.wait_dma2 semaphore(%arg17 : memref<!tpu.dma_semaphore, #tpu.memory_space<semaphore_mem>>) src(%dma_wait3A_120 : memref<128xi32, #tpu.memory_space<hbm>>) dst(%arg9 : memref<128xi32, #tpu.memory_space<vmem>>)
      %dma_start3A_121 = arith.constant 0 : i32
      %dma_start3A_122 = arith.constant 0 : i32
      %dma_start3A_123 = tpu.memref_slice %arg18[%dma_start3A_121, %dma_start3A_122] : memref<10112x128xf32, #tpu.memory_space<vmem_shared>> -> memref<10112x128xf32, #tpu.memory_space<vmem_shared>>
      tpu.enqueue_indirect_dma source(%arg11 : memref<128x128xf32, #tpu.memory_space<vmem>>) target(%dma_start3A_123 : memref<10112x128xf32, #tpu.memory_space<vmem_shared>>) offsets(%arg9 : memref<128xi32, #tpu.memory_space<vmem>>) semaphore(%arg15 : memref<!tpu.dma_semaphore, #tpu.memory_space<semaphore_mem>>) {add = true}
      %lt3A = arith.constant 38 : i32
      %lt3A_124 = arith.cmpi slt, %scan3A_83, %lt3A : i32
      %convert_element_type3A = arith.extui %lt3A_124 : i1 to i32
      %cond3A = arith.constant 0 : i32
      %cond3A_125 = arith.cmpi ne, %convert_element_type3A, %cond3A : i32
      scf.if %cond3A_125 {
        %dma_wait3A_126 = arith.constant 0 : i32
        %dma_wait3A_127 = arith.constant 0 : i32
        %dma_wait3A_128 = tpu.memref_slice %arg18[%dma_wait3A_126, %dma_wait3A_127] : memref<10112x128xf32, #tpu.memory_space<vmem_shared>> -> memref<10112x128xf32, #tpu.memory_space<vmem_shared>>
        tpu.wait_indirect_dma semaphore(%arg14 : memref<!tpu.dma_semaphore, #tpu.memory_space<semaphore_mem>>) src(%arg10 : memref<128x128xf32, #tpu.memory_space<vmem>>) dst(%dma_wait3A_128 : memref<10112x128xf32, #tpu.memory_space<vmem_shared>>)
        %add3A_129 = arith.constant 2 : i32
        %add3A_130 = arith.addi %mul3A_85, %add3A_129 : i32
        %dma_start3A_131 = arith.constant 0 : i32
        %dma_start3A_132 = arith.constant 0 : i32
        %dma_start3A_133 = tpu.memref_slice %arg4[%add3A, %add3A_130, %dma_start3A_131, %dma_start3A_132] : memref<32x79x1x128xi32, #tpu.memory_space<hbm>> -> memref<1x1x1x128xi32, #tpu.memory_space<hbm>>
        %dma_start3A_134 = tpu.memref_squeeze %dma_start3A_133 : memref<1x1x1x128xi32, #tpu.memory_space<hbm>> -> memref<128xi32, #tpu.memory_space<hbm>>
        %dma_start3A_135 = arith.constant 0 : i32
        %dma_start3A_136 = tpu.memref_slice %arg4[%add3A, %add3A_130, %dma_start3A_131, %dma_start3A_135] : memref<32x79x1x128xi32, #tpu.memory_space<hbm>> -> memref<1x1x1x128xi32, #tpu.memory_space<hbm>>
        %dma_start3A_137 = tpu.memref_squeeze %dma_start3A_136 : memref<1x1x1x128xi32, #tpu.memory_space<hbm>> -> memref<128xi32, #tpu.memory_space<hbm>>
        tpu.enqueue_dma source(%dma_start3A_137 : memref<128xi32, #tpu.memory_space<hbm>>) target(%arg8 : memref<128xi32, #tpu.memory_space<vmem>>) target_semaphore(%arg16 : memref<!tpu.dma_semaphore, #tpu.memory_space<semaphore_mem>>)
        %add3A_138 = arith.constant 2 : i32
        %add3A_139 = arith.addi %mul3A_85, %add3A_138 : i32
        %dma_start3A_140 = arith.constant 0 : i32
        %dma_start3A_141 = arith.constant 0 : i32
        %dma_start3A_142 = tpu.memref_slice %arg7[%add3A_139, %dma_start3A_140, %dma_start3A_141] : memref<79x1x128xi32, #tpu.memory_space<vmem>> -> memref<1x1x128xi32, #tpu.memory_space<vmem>>
        %dma_start3A_143 = tpu.memref_squeeze %dma_start3A_142 : memref<1x1x128xi32, #tpu.memory_space<vmem>> -> memref<128xi32, #tpu.memory_space<vmem>>
        %dma_start3A_144 = arith.constant 0 : i32
        %dma_start3A_145 = arith.constant 0 : i32
        %dma_start3A_146 = tpu.memref_slice %arg2[%dma_start3A_144, %dma_start3A_145] : memref<10112x128xf32, #tpu.memory_space<hbm>> -> memref<10112x128xf32, #tpu.memory_space<hbm>>
        tpu.enqueue_indirect_dma source(%dma_start3A_146 : memref<10112x128xf32, #tpu.memory_space<hbm>>) target(%arg10 : memref<128x128xf32, #tpu.memory_space<vmem>>) offsets(%dma_start3A_143 : memref<128xi32, #tpu.memory_space<vmem>>) semaphore(%arg12 : memref<!tpu.dma_semaphore, #tpu.memory_space<semaphore_mem>>)
        %dma_wait3A_147 = arith.constant 0 : i32
        %dma_wait3A_148 = arith.constant 0 : i32
        %dma_wait3A_149 = tpu.memref_slice %arg18[%dma_wait3A_147, %dma_wait3A_148] : memref<10112x128xf32, #tpu.memory_space<vmem_shared>> -> memref<10112x128xf32, #tpu.memory_space<vmem_shared>>
        tpu.wait_indirect_dma semaphore(%arg15 : memref<!tpu.dma_semaphore, #tpu.memory_space<semaphore_mem>>) src(%arg11 : memref<128x128xf32, #tpu.memory_space<vmem>>) dst(%dma_wait3A_149 : memref<10112x128xf32, #tpu.memory_space<vmem_shared>>)
        %add3A_150 = arith.constant 3 : i32
        %add3A_151 = arith.addi %mul3A_85, %add3A_150 : i32
        %dma_start3A_152 = arith.constant 0 : i32
        %dma_start3A_153 = arith.constant 0 : i32
        %dma_start3A_154 = tpu.memref_slice %arg4[%add3A, %add3A_151, %dma_start3A_152, %dma_start3A_153] : memref<32x79x1x128xi32, #tpu.memory_space<hbm>> -> memref<1x1x1x128xi32, #tpu.memory_space<hbm>>
        %dma_start3A_155 = tpu.memref_squeeze %dma_start3A_154 : memref<1x1x1x128xi32, #tpu.memory_space<hbm>> -> memref<128xi32, #tpu.memory_space<hbm>>
        %dma_start3A_156 = arith.constant 0 : i32
        %dma_start3A_157 = tpu.memref_slice %arg4[%add3A, %add3A_151, %dma_start3A_152, %dma_start3A_156] : memref<32x79x1x128xi32, #tpu.memory_space<hbm>> -> memref<1x1x1x128xi32, #tpu.memory_space<hbm>>
        %dma_start3A_158 = tpu.memref_squeeze %dma_start3A_157 : memref<1x1x1x128xi32, #tpu.memory_space<hbm>> -> memref<128xi32, #tpu.memory_space<hbm>>
        tpu.enqueue_dma source(%dma_start3A_158 : memref<128xi32, #tpu.memory_space<hbm>>) target(%arg9 : memref<128xi32, #tpu.memory_space<vmem>>) target_semaphore(%arg17 : memref<!tpu.dma_semaphore, #tpu.memory_space<semaphore_mem>>)
        %add3A_159 = arith.constant 3 : i32
        %add3A_160 = arith.addi %mul3A_85, %add3A_159 : i32
        %dma_start3A_161 = arith.constant 0 : i32
        %dma_start3A_162 = arith.constant 0 : i32
        %dma_start3A_163 = tpu.memref_slice %arg7[%add3A_160, %dma_start3A_161, %dma_start3A_162] : memref<79x1x128xi32, #tpu.memory_space<vmem>> -> memref<1x1x128xi32, #tpu.memory_space<vmem>>
        %dma_start3A_164 = tpu.memref_squeeze %dma_start3A_163 : memref<1x1x128xi32, #tpu.memory_space<vmem>> -> memref<128xi32, #tpu.memory_space<vmem>>
        %dma_start3A_165 = arith.constant 0 : i32
        %dma_start3A_166 = arith.constant 0 : i32
        %dma_start3A_167 = tpu.memref_slice %arg2[%dma_start3A_165, %dma_start3A_166] : memref<10112x128xf32, #tpu.memory_space<hbm>> -> memref<10112x128xf32, #tpu.memory_space<hbm>>
        tpu.enqueue_indirect_dma source(%dma_start3A_167 : memref<10112x128xf32, #tpu.memory_space<hbm>>) target(%arg11 : memref<128x128xf32, #tpu.memory_space<vmem>>) offsets(%dma_start3A_164 : memref<128xi32, #tpu.memory_space<vmem>>) semaphore(%arg13 : memref<!tpu.dma_semaphore, #tpu.memory_space<semaphore_mem>>)
      } else {
      }
    }
    %scan3A_40 = arith.constant 39 : i32
    %dma_wait3A = arith.constant 0 : i32
    %dma_wait3A_41 = arith.constant 0 : i32
    %dma_wait3A_42 = tpu.memref_slice %arg18[%dma_wait3A, %dma_wait3A_41] : memref<10112x128xf32, #tpu.memory_space<vmem_shared>> -> memref<10112x128xf32, #tpu.memory_space<vmem_shared>>
    tpu.wait_indirect_dma semaphore(%arg14 : memref<!tpu.dma_semaphore, #tpu.memory_space<semaphore_mem>>) src(%arg10 : memref<128x128xf32, #tpu.memory_space<vmem>>) dst(%dma_wait3A_42 : memref<10112x128xf32, #tpu.memory_space<vmem_shared>>)
    %dma_wait3A_43 = arith.constant 0 : i32
    %dma_wait3A_44 = arith.constant 0 : i32
    %dma_wait3A_45 = tpu.memref_slice %arg18[%dma_wait3A_43, %dma_wait3A_44] : memref<10112x128xf32, #tpu.memory_space<vmem_shared>> -> memref<10112x128xf32, #tpu.memory_space<vmem_shared>>
    tpu.wait_indirect_dma semaphore(%arg15 : memref<!tpu.dma_semaphore, #tpu.memory_space<semaphore_mem>>) src(%arg11 : memref<128x128xf32, #tpu.memory_space<vmem>>) dst(%dma_wait3A_45 : memref<10112x128xf32, #tpu.memory_space<vmem_shared>>)
    %dma_start3A_46 = arith.constant 78 : i32
    %dma_start3A_47 = arith.constant 0 : i32
    %dma_start3A_48 = arith.constant 0 : i32
    %dma_start3A_49 = tpu.memref_slice %arg4[%add3A, %dma_start3A_46, %dma_start3A_47, %dma_start3A_48] : memref<32x79x1x128xi32, #tpu.memory_space<hbm>> -> memref<1x1x1x128xi32, #tpu.memory_space<hbm>>
    %dma_start3A_50 = tpu.memref_squeeze %dma_start3A_49 : memref<1x1x1x128xi32, #tpu.memory_space<hbm>> -> memref<128xi32, #tpu.memory_space<hbm>>
    %dma_start3A_51 = arith.constant 0 : i32
    %dma_start3A_52 = tpu.memref_slice %arg4[%add3A, %dma_start3A_46, %dma_start3A_47, %dma_start3A_51] : memref<32x79x1x128xi32, #tpu.memory_space<hbm>> -> memref<1x1x1x128xi32, #tpu.memory_space<hbm>>
    %dma_start3A_53 = tpu.memref_squeeze %dma_start3A_52 : memref<1x1x1x128xi32, #tpu.memory_space<hbm>> -> memref<128xi32, #tpu.memory_space<hbm>>
    tpu.enqueue_dma source(%dma_start3A_53 : memref<128xi32, #tpu.memory_space<hbm>>) target(%arg8 : memref<128xi32, #tpu.memory_space<vmem>>) target_semaphore(%arg16 : memref<!tpu.dma_semaphore, #tpu.memory_space<semaphore_mem>>)
    %dma_start3A_54 = arith.constant 78 : i32
    %dma_start3A_55 = arith.constant 0 : i32
    %dma_start3A_56 = arith.constant 0 : i32
    %dma_start3A_57 = tpu.memref_slice %arg7[%dma_start3A_54, %dma_start3A_55, %dma_start3A_56] : memref<79x1x128xi32, #tpu.memory_space<vmem>> -> memref<1x1x128xi32, #tpu.memory_space<vmem>>
    %dma_start3A_58 = tpu.memref_squeeze %dma_start3A_57 : memref<1x1x128xi32, #tpu.memory_space<vmem>> -> memref<128xi32, #tpu.memory_space<vmem>>
    %dma_start3A_59 = arith.constant 0 : i32
    %dma_start3A_60 = arith.constant 0 : i32
    %dma_start3A_61 = tpu.memref_slice %arg2[%dma_start3A_59, %dma_start3A_60] : memref<10112x128xf32, #tpu.memory_space<hbm>> -> memref<10112x128xf32, #tpu.memory_space<hbm>>
    tpu.enqueue_indirect_dma source(%dma_start3A_61 : memref<10112x128xf32, #tpu.memory_space<hbm>>) target(%arg10 : memref<128x128xf32, #tpu.memory_space<vmem>>) offsets(%dma_start3A_58 : memref<128xi32, #tpu.memory_space<vmem>>) semaphore(%arg12 : memref<!tpu.dma_semaphore, #tpu.memory_space<semaphore_mem>>)
    %dma_wait3A_62 = arith.constant 0 : i32
    %dma_wait3A_63 = arith.constant 0 : i32
    %dma_wait3A_64 = arith.constant 0 : i32
    %dma_wait3A_65 = tpu.memref_slice %arg7[%dma_wait3A_62, %dma_wait3A_63, %dma_wait3A_64] : memref<79x1x128xi32, #tpu.memory_space<vmem>> -> memref<1x1x128xi32, #tpu.memory_space<vmem>>
    %dma_wait3A_66 = tpu.memref_squeeze %dma_wait3A_65 : memref<1x1x128xi32, #tpu.memory_space<vmem>> -> memref<128xi32, #tpu.memory_space<vmem>>
    %dma_wait3A_67 = arith.constant 0 : i32
    %dma_wait3A_68 = arith.constant 0 : i32
    %dma_wait3A_69 = tpu.memref_slice %arg2[%dma_wait3A_67, %dma_wait3A_68] : memref<10112x128xf32, #tpu.memory_space<hbm>> -> memref<10112x128xf32, #tpu.memory_space<hbm>>
    tpu.wait_indirect_dma semaphore(%arg12 : memref<!tpu.dma_semaphore, #tpu.memory_space<semaphore_mem>>) src(%dma_wait3A_69 : memref<10112x128xf32, #tpu.memory_space<hbm>>) dst(%arg10 : memref<128x128xf32, #tpu.memory_space<vmem>>)
    %dma_wait3A_70 = arith.constant 0 : i32
    %dma_wait3A_71 = arith.constant 0 : i32
    %dma_wait3A_72 = arith.constant 0 : i32
    %dma_wait3A_73 = tpu.memref_slice %arg4[%add3A, %dma_wait3A_70, %dma_wait3A_71, %dma_wait3A_72] : memref<32x79x1x128xi32, #tpu.memory_space<hbm>> -> memref<1x1x1x128xi32, #tpu.memory_space<hbm>>
    %dma_wait3A_74 = tpu.memref_squeeze %dma_wait3A_73 : memref<1x1x1x128xi32, #tpu.memory_space<hbm>> -> memref<128xi32, #tpu.memory_space<hbm>>
    %dma_wait3A_75 = arith.constant 0 : i32
    %dma_wait3A_76 = tpu.memref_slice %arg4[%add3A, %dma_wait3A_70, %dma_wait3A_71, %dma_wait3A_75] : memref<32x79x1x128xi32, #tpu.memory_space<hbm>> -> memref<1x1x1x128xi32, #tpu.memory_space<hbm>>
    %dma_wait3A_77 = tpu.memref_squeeze %dma_wait3A_76 : memref<1x1x1x128xi32, #tpu.memory_space<hbm>> -> memref<128xi32, #tpu.memory_space<hbm>>
    tpu.wait_dma2 semaphore(%arg16 : memref<!tpu.dma_semaphore, #tpu.memory_space<semaphore_mem>>) src(%dma_wait3A_77 : memref<128xi32, #tpu.memory_space<hbm>>) dst(%arg8 : memref<128xi32, #tpu.memory_space<vmem>>)
    "tpu.region"() ({
      %run_scoped3A = tpu.sem_alloc : memref<!tpu.dma_semaphore, #tpu.memory_space<semaphore_mem>>
      %dma_start3A_83 = arith.constant 0 : i32
      %dma_start3A_84 = arith.constant 0 : i32
      %dma_start3A_85 = tpu.memref_slice %arg18[%dma_start3A_83, %dma_start3A_84] : memref<10112x128xf32, #tpu.memory_space<vmem_shared>> -> memref<10112x128xf32, #tpu.memory_space<vmem_shared>>
      tpu.enqueue_indirect_dma source(%arg10 : memref<128x128xf32, #tpu.memory_space<vmem>>) target(%dma_start3A_85 : memref<10112x128xf32, #tpu.memory_space<vmem_shared>>) offsets(%arg8 : memref<128xi32, #tpu.memory_space<vmem>>) semaphore(%run_scoped3A : memref<!tpu.dma_semaphore, #tpu.memory_space<semaphore_mem>>) {add = true}
      %dma_wait3A_86 = arith.constant 0 : i32
      %dma_wait3A_87 = arith.constant 0 : i32
      %dma_wait3A_88 = tpu.memref_slice %arg18[%dma_wait3A_86, %dma_wait3A_87] : memref<10112x128xf32, #tpu.memory_space<vmem_shared>> -> memref<10112x128xf32, #tpu.memory_space<vmem_shared>>
      tpu.wait_indirect_dma semaphore(%run_scoped3A : memref<!tpu.dma_semaphore, #tpu.memory_space<semaphore_mem>>) src(%arg10 : memref<128x128xf32, #tpu.memory_space<vmem>>) dst(%dma_wait3A_88 : memref<10112x128xf32, #tpu.memory_space<vmem_shared>>)
      tpu.yield
    }) : () -> ()
    %barrier3A_78 = arith.constant 0 : index
    tpu.barrier barrier_id(%barrier3A_78)
    %mul3A_79 = arith.constant 632 : i32
    %mul3A_80 = arith.muli %arg1, %mul3A_79 : i32
    %mul3A_81 = arith.constant 632 : i32
    %mul3A_82 = arith.muli %arg1, %mul3A_81 : i32
    "tpu.region"() ({
      %run_scoped3A = tpu.sem_alloc : memref<!tpu.dma_semaphore, #tpu.memory_space<semaphore_mem>>
      %dma_start3A_83 = arith.constant 0 : i32
      %dma_start3A_84 = tpu.memref_slice %arg6[%arg0, %mul3A_82, %dma_start3A_83] : memref<2x10112x128xf32, #tpu.memory_space<hbm>> -> memref<1x632x128xf32, #tpu.memory_space<hbm>>
      %dma_start3A_85 = tpu.memref_squeeze %dma_start3A_84 : memref<1x632x128xf32, #tpu.memory_space<hbm>> -> memref<632x128xf32, #tpu.memory_space<hbm>>
      %dma_start3A_86 = arith.constant 0 : i32
      %dma_start3A_87 = tpu.memref_slice %arg18[%mul3A_80, %dma_start3A_86] : memref<10112x128xf32, #tpu.memory_space<vmem_shared>> -> memref<632x128xf32, #tpu.memory_space<vmem_shared>>
      tpu.enqueue_dma source(%dma_start3A_87 : memref<632x128xf32, #tpu.memory_space<vmem_shared>>) target(%dma_start3A_85 : memref<632x128xf32, #tpu.memory_space<hbm>>) target_semaphore(%run_scoped3A : memref<!tpu.dma_semaphore, #tpu.memory_space<semaphore_mem>>)
      %dma_wait3A_88 = arith.constant 0 : i32
      %dma_wait3A_89 = tpu.memref_slice %arg6[%arg0, %mul3A_82, %dma_wait3A_88] : memref<2x10112x128xf32, #tpu.memory_space<hbm>> -> memref<1x632x128xf32, #tpu.memory_space<hbm>>
      %dma_wait3A_90 = tpu.memref_squeeze %dma_wait3A_89 : memref<1x632x128xf32, #tpu.memory_space<hbm>> -> memref<632x128xf32, #tpu.memory_space<hbm>>
      %dma_wait3A_91 = arith.constant 0 : i32
      %dma_wait3A_92 = tpu.memref_slice %arg18[%mul3A_80, %dma_wait3A_91] : memref<10112x128xf32, #tpu.memory_space<vmem_shared>> -> memref<632x128xf32, #tpu.memory_space<vmem_shared>>
      tpu.wait_dma2 semaphore(%run_scoped3A : memref<!tpu.dma_semaphore, #tpu.memory_space<semaphore_mem>>) src(%dma_wait3A_92 : memref<632x128xf32, #tpu.memory_space<vmem_shared>>) dst(%dma_wait3A_90 : memref<632x128xf32, #tpu.memory_space<hbm>>)
      tpu.yield
    }) : () -> ()
    return
  }
}

module attributes {stable_mosaic.version = 14 : i64} {
  func.func @body(%arg0: i32, %arg1: memref<1264x128xf32, #tpu.memory_space<vmem>>, %arg2: memref<128x128xf32, #tpu.memory_space<vmem>>, %arg3: memref<1264x128xf32, #tpu.memory_space<vmem>>) attributes {dimension_semantics = [#tpu.dimension_semantics<arbitrary>], iteration_bounds = array<i64: 8>, scalar_prefetch = 0 : i64, scratch_operands = 0 : i64, tpu.core_type = #tpu.core_type<tc>, window_params = [{transform_indices = @transform_0, window_bounds = array<i64: 1264, 128>}, {pipeline_mode = #tpu.pipeline_mode<synchronous>, transform_indices = @transform_1, window_bounds = array<i64: 128, 128>}, {transform_indices = @transform_2, window_bounds = array<i64: 1264, 128>}]} {
    %get3A = arith.constant 0 : index
    %get3A_0 = arith.constant 0 : index
    %get3A_1 = vector.load %arg1[%get3A, %get3A_0] : memref<1264x128xf32, #tpu.memory_space<vmem>>, vector<1264x128xf32>
    %get3A_2 = arith.constant 0 : index
    %get3A_3 = arith.constant 0 : index
    %get3A_4 = vector.load %arg2[%get3A_2, %get3A_3] : memref<128x128xf32, #tpu.memory_space<vmem>>, vector<128x128xf32>
    %dot_general3A = arith.constant dense<0.000000e+00> : vector<1264x128xf32>
    %dot_general3A_5 = tpu.matmul %get3A_1, %get3A_4, %dot_general3A {dimension_numbers = #tpu.dot_dimension_numbers<[1], [1], [0], [0], [0, 0, 1, 0], [], []>, precision = #tpu.contract_precision<fp32>, transpose_lhs_hint = false} : vector<1264x128xf32>, vector<128x128xf32>, vector<1264x128xf32> -> vector<1264x128xf32>
    %swap3A = arith.constant 0 : index
    %swap3A_6 = arith.constant 0 : index
    %swap3A_7 = vector.load %arg3[%swap3A, %swap3A_6] : memref<1264x128xf32, #tpu.memory_space<vmem>>, vector<1264x128xf32>
    tpu.vector_store %arg3[%swap3A, %swap3A_6], %dot_general3A_5 {strides = array<i32>} : memref<1264x128xf32, #tpu.memory_space<vmem>>, vector<1264x128xf32>,
    return
  }
  func.func @transform_0(%arg0: i32) -> (i32, i32) {
    %c0_i32 = arith.constant 0 : i32
    %c0_i32_0 = arith.constant 0 : i32
    return %arg0, %c0_i32 : i32, i32
  }
  func.func @transform_1(%arg0: i32) -> (i32, i32) {
    %c0_i32 = arith.constant 0 : i32
    %c0_i32_0 = arith.constant 0 : i32
    %c0_i32_1 = arith.constant 0 : i32
    return %c0_i32, %c0_i32_0 : i32, i32
  }
  func.func @transform_2(%arg0: i32) -> (i32, i32) {
    %c0_i32 = arith.constant 0 : i32
    %c0_i32_0 = arith.constant 0 : i32
    return %arg0, %c0_i32 : i32, i32
  }
}

module attributes {stable_mosaic.version = 14 : i64} {
  func.func @body(%arg0: i32, %arg1: memref<2x128x128xf32, #tpu.memory_space<vmem>>, %arg2: memref<2x128xf32, #tpu.memory_space<vmem>>, %arg3: memref<128x128xf32, #tpu.memory_space<vmem>>) attributes {dimension_semantics = [#tpu.dimension_semantics<arbitrary>], iteration_bounds = array<i64: 79>, scalar_prefetch = 0 : i64, scratch_operands = 0 : i64, tpu.core_type = #tpu.core_type<tc>, window_params = [{transform_indices = @transform_0, window_bounds = array<i64: 2, 128, 128>}, {transform_indices = @transform_1, window_bounds = array<i64: 2, 128>}, {transform_indices = @transform_2, window_bounds = array<i64: 128, 128>}]} {
    %get3A = arith.constant 0 : index
    %get3A_0 = arith.constant 0 : index
    %get3A_1 = arith.constant 0 : index
    %get3A_2 = vector.load %arg1[%get3A, %get3A_0, %get3A_1] : memref<2x128x128xf32, #tpu.memory_space<vmem>>, vector<1x128x128xf32>
    %get3A_3 = vector.shape_cast %get3A_2 : vector<1x128x128xf32> to vector<128x128xf32>
    %get3A_4 = arith.constant 1 : index
    %get3A_5 = arith.constant 0 : index
    %get3A_6 = arith.constant 0 : index
    %get3A_7 = vector.load %arg1[%get3A_4, %get3A_5, %get3A_6] : memref<2x128x128xf32, #tpu.memory_space<vmem>>, vector<1x128x128xf32>
    %get3A_8 = vector.shape_cast %get3A_7 : vector<1x128x128xf32> to vector<128x128xf32>
    %add3A = arith.addf %get3A_3, %get3A_8 : vector<128x128xf32>
    %get3A_9 = arith.constant 0 : index
    %get3A_10 = arith.constant 0 : index
    %get3A_11 = vector.load %arg2[%get3A_9, %get3A_10] : memref<2x128xf32, #tpu.memory_space<vmem>>, vector<1x128xf32>
    %get3A_12 = vector.shape_cast %get3A_11 : vector<1x128xf32> to vector<128xf32>
    %get3A_13 = arith.constant 1 : index
    %get3A_14 = arith.constant 0 : index
    %get3A_15 = vector.load %arg2[%get3A_13, %get3A_14] : memref<2x128xf32, #tpu.memory_space<vmem>>, vector<1x128xf32>
    %get3A_16 = vector.shape_cast %get3A_15 : vector<1x128xf32> to vector<128xf32>
    %add3A_17 = arith.addf %get3A_12, %get3A_16 : vector<128xf32>
    %iota3A = tpu.iota {dimensions = array<i32: 0>} : vector<128x128xi32>
    %iota3A_18 = tpu.iota {dimensions = array<i32: 1>} : vector<128x128xi32>
    %broadcast_in_dim3A = vector.shape_cast %add3A_17 : vector<128xf32> to vector<1x128xf32>
    %broadcast_in_dim3A_19 = vector.shape_cast %broadcast_in_dim3A : vector<1x128xf32> to vector<1x128xf32>
    %broadcast_in_dim3A_20 = vector.broadcast %broadcast_in_dim3A_19 : vector<1x128xf32> to vector<128x128xf32>
    %eq3A = arith.cmpi eq, %iota3A, %iota3A_18 : vector<128x128xi32>
    %jit3A = arith.constant 0.000000e+00 : f32
    %broadcast_in_dim3A_21 = vector.broadcast %jit3A : f32 to vector<128x128xf32>
    %select_n3A = arith.select %eq3A, %broadcast_in_dim3A_20, %broadcast_in_dim3A_21 : vector<128x128xi1>, vector<128x128xf32>
    %reduce_sum3A = arith.constant dense<0.000000e+00> : vector<128xf32>
    %reduce_sum3A_22 = vector.multi_reduction <add>, %select_n3A, %reduce_sum3A [1] : vector<128x128xf32> to vector<128xf32>
    %broadcast_in_dim3A_23 = vector.shape_cast %reduce_sum3A_22 : vector<128xf32> to vector<128x1xf32>
    %max3A = arith.constant 1.000000e+00 : f32
    %max3A_24 = vector.broadcast %max3A : f32 to vector<128x1xf32>
    %max3A_25 = arith.maximumf %broadcast_in_dim3A_23, %max3A_24 : vector<128x1xf32>
    %div3A = vector.broadcast %max3A_25 : vector<128x1xf32> to vector<128x128xf32>
    %div3A_26 = arith.divf %add3A, %div3A : vector<128x128xf32>
    %swap3A = arith.constant 0 : index
    %swap3A_27 = arith.constant 0 : index
    %swap3A_28 = vector.load %arg3[%swap3A, %swap3A_27] : memref<128x128xf32, #tpu.memory_space<vmem>>, vector<128x128xf32>
    tpu.vector_store %arg3[%swap3A, %swap3A_27], %div3A_26 {strides = array<i32>} : memref<128x128xf32, #tpu.memory_space<vmem>>, vector<128x128xf32>,
    return
  }
  func.func @transform_0(%arg0: i32) -> (i32, i32, i32) {
    %c0_i32 = arith.constant 0 : i32
    %c0_i32_0 = arith.constant 0 : i32
    %c0_i32_1 = arith.constant 0 : i32
    return %c0_i32, %arg0, %c0_i32_0 : i32, i32, i32
  }
  func.func @transform_1(%arg0: i32) -> (i32, i32) {
    %c0_i32 = arith.constant 0 : i32
    %c0_i32_0 = arith.constant 0 : i32
    return %c0_i32, %arg0 : i32, i32
  }
  func.func @transform_2(%arg0: i32) -> (i32, i32) {
    %c0_i32 = arith.constant 0 : i32
    %c0_i32_0 = arith.constant 0 : i32
    return %arg0, %c0_i32 : i32, i32
  }
}

module attributes {stable_mosaic.version = 14 : i64} {
  func.func @body(%arg0: i32, %arg1: memref<1000x128xf32, #tpu.memory_space<vmem>>, %arg2: memref<2x1000x128xf32, #tpu.memory_space<vmem>>, %arg3: memref<1xf32, #tpu.memory_space<smem>>, %arg4: memref<1000x128xf32, #tpu.memory_space<vmem>>) attributes {dimension_semantics = [#tpu.dimension_semantics<arbitrary>], iteration_bounds = array<i64: 10>, scalar_prefetch = 0 : i64, scratch_operands = 0 : i64, tpu.core_type = #tpu.core_type<tc>, window_params = [{transform_indices = @transform_0, window_bounds = array<i64: 1000, 128>}, {transform_indices = @transform_1, window_bounds = array<i64: 2, 1000, 128>}, {transform_indices = @transform_2, window_bounds = array<i64: 1>}, {transform_indices = @transform_3, window_bounds = array<i64: 1000, 128>}]} {
    %get3A = arith.constant 0 : index
    %get3A_0 = memref.load %arg3[%get3A] : memref<1xf32, #tpu.memory_space<smem>>
    %add3A = arith.constant 1.000000e+00 : f32
    %add3A_1 = arith.addf %add3A, %get3A_0 : f32
    %get3A_2 = arith.constant 0 : index
    %get3A_3 = arith.constant 0 : index
    %get3A_4 = vector.load %arg1[%get3A_2, %get3A_3] : memref<1000x128xf32, #tpu.memory_space<vmem>>, vector<1000x128xf32>
    %mul3A = vector.broadcast %add3A_1 : f32 to vector<1000x128xf32>
    %mul3A_5 = arith.mulf %mul3A, %get3A_4 : vector<1000x128xf32>
    %get3A_6 = arith.constant 0 : index
    %get3A_7 = arith.constant 0 : index
    %get3A_8 = arith.constant 0 : index
    %get3A_9 = vector.load %arg2[%get3A_6, %get3A_7, %get3A_8] : memref<2x1000x128xf32, #tpu.memory_space<vmem>>, vector<1x1000x128xf32>
    %get3A_10 = vector.shape_cast %get3A_9 : vector<1x1000x128xf32> to vector<1000x128xf32>
    %add3A_11 = arith.addf %mul3A_5, %get3A_10 : vector<1000x128xf32>
    %get3A_12 = arith.constant 1 : index
    %get3A_13 = arith.constant 0 : index
    %get3A_14 = arith.constant 0 : index
    %get3A_15 = vector.load %arg2[%get3A_12, %get3A_13, %get3A_14] : memref<2x1000x128xf32, #tpu.memory_space<vmem>>, vector<1x1000x128xf32>
    %get3A_16 = vector.shape_cast %get3A_15 : vector<1x1000x128xf32> to vector<1000x128xf32>
    %add3A_17 = arith.addf %add3A_11, %get3A_16 : vector<1000x128xf32>
    %swap3A = arith.constant 0 : index
    %swap3A_18 = arith.constant 0 : index
    %swap3A_19 = vector.load %arg4[%swap3A, %swap3A_18] : memref<1000x128xf32, #tpu.memory_space<vmem>>, vector<1000x128xf32>
    tpu.vector_store %arg4[%swap3A, %swap3A_18], %add3A_17 {strides = array<i32>} : memref<1000x128xf32, #tpu.memory_space<vmem>>, vector<1000x128xf32>,
    return
  }
  func.func @transform_0(%arg0: i32) -> (i32, i32) {
    %c0_i32 = arith.constant 0 : i32
    %c0_i32_0 = arith.constant 0 : i32
    return %arg0, %c0_i32 : i32, i32
  }
  func.func @transform_1(%arg0: i32) -> (i32, i32, i32) {
    %c0_i32 = arith.constant 0 : i32
    %c0_i32_0 = arith.constant 0 : i32
    %c0_i32_1 = arith.constant 0 : i32
    return %c0_i32, %arg0, %c0_i32_0 : i32, i32, i32
  }
  func.func @transform_2(%arg0: i32) -> i32 {
    %c0_i32 = arith.constant 0 : i32
    %c0_i32_0 = arith.constant 0 : i32
    return %c0_i32 : i32
  }
  func.func @transform_3(%arg0: i32) -> (i32, i32) {
    %c0_i32 = arith.constant 0 : i32
    %c0_i32_0 = arith.constant 0 : i32
    return %arg0, %c0_i32 : i32, i32
  }
}

</mosaic_0001>

<sc_bundles>
// kernel: kernel.10.cloned.1.call-start
scs
__scs_entry_jumppad:
0x0: {  	(pc) =	sbr.rel $0x88, $3  }
0x1: {  	(tag) =	ssettag $0x0;
	lr =	simm.s32 $0x1  }
0x2: {  	[smem:$0x3F9C] =	sst lr;
	_ =	strace $0xD0000000  }
0x3: {  	_ = 	snop  }
0x4: {  	_ = 	snop  }
0x5: {  	_ = 	snop  }
0x6: {  	_ = 	snop  }
0x7: {  	_ = 	snop  }
__scs_overlays_trampoline_lowered:
0x8: {  	[smem:$0x3FAB] =	sst s0  }
0x9: {  	[smem:$0x3FAC] =	sst s1  }
0xa: {  	[smem:$0x3FAD] =	sst s2  }
0xb: {  	[smem:$0x3FAE] =	sst s3  }
0xc: {  	[smem:$0x3FAF] =	sst s4  }
0xd: {  	[smem:$0x3FB0] =	sst s5  }
0xe: {  	[smem:$0x3FB1] =	sst s6  }
0xf: {  	[smem:$0x3FB2] =	sst s7  }
0x10: {  	[smem:$0x3FB3] =	sst s8  }
0x11: {  	[smem:$0x3FB4] =	sst s9;
	s0 =	simm.s32 @!p0 $0x0  }
0x12: {  	s1 =	sld [smem:$0x3F9A];
	s0 =	simm.s32 @p0 $0x1  }
0x13: {  	[smem:$0x3FB5] =	sst s0;
	s0 =	simm.s32 @!p1 $0x0  }
0x14: {  	s2 =	sld [smem:$0x3F99];
	s0 =	simm.s32 @p1 $0x1  }
0x15: {  	[smem:$0x3FB6] =	sst s0;
	s0 =	simm.s32 @!p2 $0x0  }
0x16: {  	s3 =	sld [smem:$0x3FDB];
	s0 =	simm.s32 @p2 $0x1  }
0x17: {  	s4 =	simm.s32 $0x1BF5;
	[smem:$0x3FB8] =	sst s0  }
0x18: {  	s0 =	sld [smem:$0x3F9B];
	_ =	swait.ge [sflag:s4], $0x0  }
0x19: {  	s7 =	sld [smem:$0x3F9C]  }
0x1a: {  	s8 =	sadd.s32 $0xFFFFE003, lr  }
0x1b: {  	s9 =	sadd.s32 $0xFFFFFEF7, lr;
	s5 =	simm.s32 $0xFFFFFFFF;
	p2 =	slt.u32 s8, $0xFFFFF086  }
0x1c: {  	p1 =	slt.u32 s9, $0xF7A;
	s5 =	simm.s32 @!p2 $0x0  }
0x1d: {  	s5 =	simm.s32 @p1 $0x1;
	p0 =	seq.s32 s7, s2  }
0x1e: {  	s7 =	smul.u32 @!p0 $0xF7A, s2;
	p2 =	seq.s32 @!p0 s5, $0x0  }
0x1f: {  	s9 =	smul.u32 $0xF7A, s1;
	s8 =	simm.s32 @!p0 $0x1BF5;
	p2 =	por !p2, p0  }
0x20: {  	[sflag:s8] =	ssyncset.s32 @!p0 $0xFFFFF086;
	s6 =	sadd.s32 @!p0 s3, s7;
	s7 =	simm.s32 @!p0 $0x108  }
0x21: {  	s3 =	sadd.s32 s3, s9;
	s6 =	sadd.s32 @!p0 $0x88, s6;
	s7 =	simm.s32 @p2 $0x1082  }
0x22: {  	[simem:s7], [sflag:s8] =	dma.local @!p0 [hbm:s6], $0xF7A  }
0x23: {  	s9 =	sor.u32 $0xD0000000, s2;
	s6 =	simm.s32 $0x108;
	_ =	swait.ge @!p0 [sflag:s8], $0x0  }
0x24: {  	s3 =	sadd.s32 $0x88, s3;
	s6 =	simm.s32 @!p1 $0x1082;
	[sflag:s4] =	ssyncset.s32 $0xFFFFF086  }
0x25: {  	[simem:s6], [sflag:s4] =	dma.local [hbm:s3], $0xF7A  }
0x26: {  	[smem:$0x3F9C] =	sst s1;
	(tag) =	ssettag s2;
	_ =	strace s9  }
0x27: {  	s1 =	sld [smem:$0x3FAC]  }
0x28: {  	s2 =	sld [smem:$0x3FAD]  }
0x29: {  	s4 =	sld [smem:$0x3FAF]  }
0x2a: {  	p0 =	seq.s32 s5, $0x0;
	s5 =	sld [smem:$0x3FB0]  }
0x2b: {  	s6 =	sld [smem:$0x3FB1]  }
0x2c: {  	s7 =	sld [smem:$0x3FB2]  }
0x2d: {  	s3 =	simm.s32 $0x108;
	s8 =	sld [smem:$0x3FB3]  }
0x2e: {  	s3 =	simm.s32 @!p0 $0x1082;
	s9 =	sld [smem:$0x3FB4]  }
0x2f: {  	lr =	sadd.s32 s0, s3;
	s0 =	sld [smem:$0x3FAB]  }
0x30: {  	s3 =	sld [smem:$0x3FAE]  }
0x31: {  	[smem:$0x3FB7] =	sst s10  }
0x32: {  	s10 =	sld [smem:$0x3FB5];
	_ =	sdelay $0x3  }
0x33: {  	p0 =	seq.s32 s10, $0x1;
	s10 =	sld [smem:$0x3FB7];
	_ =	sdelay $0x3  }
0x34: {  	[smem:$0x3FB7] =	sst s10  }
0x35: {  	s10 =	sld [smem:$0x3FB6];
	_ =	sdelay $0x3  }
0x36: {  	p1 =	seq.s32 s10, $0x1;
	s10 =	sld [smem:$0x3FB7];
	_ =	sdelay $0x3  }
0x37: {  	[smem:$0x3FB7] =	sst s10  }
0x38: {  	s10 =	sld [smem:$0x3FB8]  }
0x39: {  	_ = 	snop;
	(pc) =	sbr.ind lr, $3  }
0x3a: {  	_ = 	snop  }
0x3b: {  	_ = 	snop  }
0x3c: {  	p2 =	seq.s32 s10, $0x1;
	s10 =	sld [smem:$0x3FB7]  }
0x3d: {  	_ =	shalt  }
0x3e: {  	_ =	shalt  }
0x3f: {  	_ =	shalt  }
0x40: {  	_ =	shalt  }
0x41: {  	_ =	shalt  }
0x42: {  	_ =	shalt  }
0x43: {  	_ =	shalt  }
0x44: {  	_ =	shalt  }
0x45: {  	_ =	shalt  }
0x46: {  	_ =	shalt  }
0x47: {  	_ =	shalt  }
0x48: {  	_ =	shalt  }
0x49: {  	_ =	shalt  }
0x4a: {  	_ =	shalt  }
0x4b: {  	_ =	shalt  }
0x4c: {  	_ =	shalt  }
0x4d: {  	_ =	shalt  }
0x4e: {  	_ =	shalt  }
0x4f: {  	_ =	shalt  }
0x50: {  	_ =	shalt  }
0x51: {  	_ =	shalt  }
0x52: {  	_ =	shalt  }
0x53: {  	_ =	shalt  }
0x54: {  	_ =	shalt  }
0x55: {  	_ =	shalt  }
0x56: {  	_ =	shalt  }
0x57: {  	_ =	shalt  }
0x58: {  	_ =	shalt  }
0x59: {  	_ =	shalt  }
0x5a: {  	_ =	shalt  }
0x5b: {  	_ =	shalt  }
0x5c: {  	_ =	shalt  }
0x5d: {  	_ =	shalt  }
0x5e: {  	_ =	shalt  }
0x5f: {  	_ =	shalt  }
0x60: {  	_ =	shalt  }
0x61: {  	_ =	shalt  }
0x62: {  	_ =	shalt  }
0x63: {  	_ =	shalt  }
0x64: {  	_ =	shalt  }
0x65: {  	_ =	shalt  }
0x66: {  	_ =	shalt  }
0x67: {  	_ =	shalt  }
0x68: {  	_ =	shalt  }
0x69: {  	_ =	shalt  }
0x6a: {  	_ =	shalt  }
0x6b: {  	_ =	shalt  }
0x6c: {  	_ =	shalt  }
0x6d: {  	_ =	shalt  }
0x6e: {  	_ =	shalt  }
0x6f: {  	_ =	shalt  }
0x70: {  	_ =	shalt  }
0x71: {  	_ =	shalt  }
0x72: {  	_ =	shalt  }
0x73: {  	_ =	shalt  }
0x74: {  	_ =	shalt  }
0x75: {  	_ =	shalt  }
0x76: {  	_ =	shalt  }
0x77: {  	_ =	shalt  }
0x78: {  	_ =	shalt  }
0x79: {  	_ =	shalt  }
0x7a: {  	_ =	shalt  }
0x7b: {  	_ =	shalt  }
0x7c: {  	_ =	shalt  }
0x7d: {  	_ =	shalt  }
0x7e: {  	_ =	shalt  }
0x7f: {  	_ =	shalt  }
0x80: {  	_ =	shalt  }
0x81: {  	_ =	shalt  }
0x82: {  	_ =	shalt  }
0x83: {  	_ =	shalt  }
0x84: {  	_ =	shalt  }
0x85: {  	_ =	shalt  }
0x86: {  	_ =	shalt  }
0x87: {  	_ =	shalt  }
.Lfunc_end0:
.L_simem_size_0:
called_computation.1_lowered:
.L_overlay_start_0:
0x88: {  	s2 =	sld [smem:$0x3FD9]  }
0x89: {  	s3 =	sld [smem:$0x3FFE];
	_ =	sdelay $0x1  }
0x8a: {  	s1 =	srdreg.scid  }
0x8b: {  	s0 =	sand.u32 $0x1, s1  }
0x8c: {  	s14 =	sshll.u32 s0, $0xA;
	s2 =	sadd.s32 s3, s2  }
0x8d: {  	s2 =	sadd.s32 s2, s14  }
0x8e: {  	[smem:$0x3FC3] =	sst s2  }
0x8f: {  	_ = 	snop  }
0x90: {  	s2 =	sld [smem:$0x3FD0];
	_ =	sdelay $0x2  }
0x91: {  	s15 =	simm.s32 $0xA;
	s4 =	simm.s32 $0x10  }
0x92: {  	[smem:s4], [sflag:s15] =	dma.local [hbm:s2], $0x1  }
0x93: {  	_ =	swait.eq [sflag:s15], $0x1  }
0x94: {  	[sflag:s15] =	ssyncset.done $0x0  }
0x95: {  	[sflag:s15] =	ssyncadd.s32 $0xFFFFFFFF  }
0x96: {  	s16 =	sld [smem:$0x10];
	(tm) =	ssettm $0x1  }
0x97: {  	s17 =	sld [smem:$0x3FFB];
	_ =	sdelay $0x3  }
0x98: {  	_ =	strace s17  }
0x99: {  	s3 =	sld [smem:$0x3FFC];
	_ =	sdelay $0x3  }
0x9a: {  	_ =	strace s3  }
0x9b: {  	s3 =	sld [smem:$0x3FFD];
	_ =	sdelay $0x3  }
0x9c: {  	_ =	strace s3  }
0x9d: {  	_ =	strace $0x8FFFFFFF  }
0x9e: {  	s18 =	sld [smem:$0x3FDB];
	_ =	sdelay $0x1  }
0x9f: {  	s19 =	simm.s32 $_scs_section_size  }
0xa0: {  	s5 =	simm.s32 $_size__tile_overlayer_lowered;
	s6 =	simm.s32 $_tile_overlayer_lowered  }
0xa1: {  	s22 =	simm.s32 $0x1BFF;
	s21 =	sshll.u32 s6, $0x1;
	s3 =	sadd.s32 s19, s18  }
0xa2: {  	s7 =	simm.s32 $0x0;
	s20 =	sshll.u32 s5, $0x1;
	s5 =	sadd.s32 s21, s3  }
0xa3: {  	[timem:s7], [sflag:s22] =	dma.local [hbm:s5], s20  }
0xa4: {  	_ =	swait.ge [sflag:s22], s20  }
0xa5: {  	s4 =	ssub.s32 $0x0, s20;
	[sflag:s22] =	ssyncset.done $0x0  }
0xa6: {  	[sflag:s22] =	ssyncadd.s32 s4;
	_ =	sdelay $0x1  }
0xa7: {  	s23 =	simm.s32 $0x1B8B  }
0xa8: {  	_ =	swait.ge [sflag:s23], $0x1  }
0xa9: {  	[sflag:s23] =	ssyncset.done $0x0  }
0xaa: {  	s25 =	simm.s32 $0x1B8E;
	s24 =	sld [smem:$0x3FFE];
	[sflag:s23] =	ssyncadd.s32 $0xFFFFFFFF  }
0xab: {  	s26 =	simm.s32 $execute0_lowered;
	[smem:$0x3FD2] =	sst s25  }
0xac: {  	s5 =	sshll.u32 s26, $0x1;
	_ =	strace $0x80000049;
	[dreg:$0x1] =	wrdreg $0xFFFFFFFF  }
0xad: {  	s28 =	simm.s32 $_size_execute0_lowered;
	s3 =	sadd.s32 s3, s5;
	[dreg:$0x0] =	wrdreg $0x0  }
0xae: {  	s5 =	sshll.u32 s28, $0x1;
	[dreg:$0x2] =	wrdreg s3  }
0xaf: {  	[dreg:$0x3] =	wrdreg s5  }
0xb0: {  	[dreg:$0x4] =	wrdreg $0xC0  }
0xb1: {  	_ =	task [dreg:s7], $0x5FFFF  }
0xb2: {  	[dreg:$0x1] =	wrdreg $0xFFFFFFFF  }
0xb3: {  	[dreg:$0x0] =	wrdreg $0x60  }
0xb4: {  	[dreg:$0x2] =	wrdreg s24  }
0xb5: {  	[dreg:$0x3] =	wrdreg s16  }
0xb6: {  	[dreg:$0x4] =	wrdreg $0xA8800  }
0xb7: {  	[dreg:$0x5] =	wrdreg $0x9  }
0xb8: {  	_ =	task.clear_ibuf [dreg:s7], $0x6FFFF;
	_ =	strace $0x90000049  }
0xb9: {  	s29 =	simm.s32 $0x9;
	_ =	strace $0x8000004B  }
0xba: {  	_ =	swait.ge [sflag:s29], $0x1  }
0xbb: {  	[sflag:s29] =	ssyncadd.s32 $0xFFFFFFFF  }
0xbc: {  	_ =	strace $0x9000004B  }
0xbd: {  	_ =	sfence  }
0xbe: {  	s30 =	sld [smem:$0x0];
	_ =	sdelay $0x2  }
0xbf: {  	s31 =	sshll.u32 s1, $0xD;
	s1 =	sshrl.u32 s1, $0x2  }
0xc0: {  	s3 =	sand.u32 $0x4000, s31;
	s1 =	sadd.s32 s1, s30  }
0xc1: {  	s0 =	sor.u32 s3, s0;
	s1 =	sshll.u32 s1, $0x11  }
0xc2: {  	s0 =	sor.u32 s1, s0  }
0xc3: {  	s0 =	sadd.s32 $0x8F2B, s0  }
0xc4: {  	[sflag:s0] =	ssyncadd.remote.s32 $0x1  }
0xc5: {  	_ =	sfence.sel $0xFFFF  }
0xc6: {  	[dreg:$0x0] =	wrdreg $0xFFFFFFFF;
	(pc) =	sbr.abs _section_cstart, $3  }
0xc7: {  	[dreg:$0x1] =	wrdreg $0xFFFFFFFF  }
0xc8: {  	_ =	task.clear_ibuf [dreg:s7], $0x2FFFF;
	_ =	strace $0x9FFFFFFF  }
0xc9: {  	(tm) =	ssettm $0x7FFFFFFF  }
tec
execute0_lowered:
.L_overlay_start_1:
0x0: {  	(tag) =	ssettag $0x1  }
0x1: {  	s1 =	rddreg [dreg:$0x0]  }
0x2: {  	s0 =	srdreg.scid;
	s2 =	rddreg [dreg:$0x1]  }
0x3: {  	s16 =	stileid.u32;
	s3 =	rddreg [dreg:$0x2];
	s15 =	simm.s32 $0x7  }
0x4: {  	s18 =	simm.s32 $0x2780;
	s28 =	simm.s32 $0x3;
	s7 =	smul.u32 $0x13C00, s16  }
0x5: {  	s29 =	simm.s32 $0x4;
	s31 =	simm.s32 $0x0;
	s11 =	smul.u32 $0x4F000, s16  }
0x6: {  	s0 =	sand.u32 $0x1, s0;
	s22 =	smul.u32 $0x2780, s16;
	s30 =	sshll.u32 s16, $0x6  }
0x7: {  	s4 =	sshll.u32 s0, $0x4;
	s8 =	smul.u32 $0x13C000, s0;
	s19 =	ssub.s32 $0x2, s0  }
0x8: {  	s0 =	smul.u32 $0x27800, s0;
	s5 =	sor.u32 s16, s4;
	s4 =	simm.s32 $0x0  }
0x9: {  	s9 =	sshrl.u32 s7, $0x3;
	s20 =	sshrl.u32 s19, $0x1;
	s21 =	sshrl.u32 s11, $0x2  }
0xa: {  	s16 =	sor.u32 $0x1C07, s30;
	s6 =	smul.u32 $0x2780, s5;
	[smem:$0x7FF] =	sst s4  }
0xb: {  	s5 =	sadd.s32 $0x5B200, s1;
	s9 =	sadd.s32 s9, s1;
	s7 =	sadd.s32 s7, s8  }
0xc: {  	s12 =	ssub.s32 s19, s20;
	s17 =	sadd.s32 s21, s3;
	s0 =	sadd.s32 s22, s0  }
0xd: {  	s19 =	simm.s32 $0x2800;
	s20 =	simm.s32 $0x80;
	s21 =	simm.s32 $0x2880  }
0xe: {  	s22 =	simm.s32 $0x6880;
	_ =	strace $0x8000004A;
	s7 =	sshrl.u32 s7, $0x3  }
0xf: {  	s24 =	sadd.s32 $0x33A00, s9;
	s25 =	sadd.s32 $0x180, s0;
	s12 =	smax.u32 s12, $0x1  }
0x10: {  	s13 =	sadd.s32 $0x100, s0;
	s17 =	sshrl.u32 s17, $0x3;
	s6 =	sshrl.u32 s6, $0x3  }
0x11: {  	[dreg:$0x5] =	wrdreg s24;
	s26 =	sshrl.u32 s25, $0x3;
	s24 =	simm.s32 $0x5  }
0x12: {  	s25 =	simm.s32 $0x2;
	s10 =	sadd.s32 s6, s1;
	s1 =	sadd.s32 s7, s1  }
0x13: {  	s7 =	sadd.s32 s2, s6;
	s14 =	sadd.s32 s26, s2;
	s26 =	simm.s32 $0x6  }
0x14: {  	s23 =	sadd.s32 $0x2400, s10;
	s9 =	sadd.s32 $0x10, s7;
	s10 =	sadd.s32 $0x4E0, s7  }
0x15: {  	s11 =	sadd.s32 $0x82A00, s1;
	[dreg:$0x4] =	wrdreg s23;
	s23 =	simm.s32 $0x1  }
.LBB2_1:
0x16: {  	s0 =	rddreg [dreg:$0x4]  }
0x17: {  	[tilespmem:s4], [sflag:$0x7] =	stream.linear.gather [hbm4b:s0+s4], $0x2780, $0x38;
	[tilespmem:$0x1E480] =	vst v63  }
0x18: {  	_ =	swait.ge [sflag:s15], $0x2780  }
0x19: {  	[sflag:s15] =	ssyncset.done $0x0  }
0x1a: {  	s8 =	rddreg [dreg:$0x5];
	[sflag:s15] =	ssyncadd.s32 $0xFFFFD880  }
0x1b: {  	[spmem:s17], [sflag:s16] =	dma.local [hbm:s8], $0x2780  }
0x1c: {  	_ =	swait.ge [sflag:s15], $0x2780  }
0x1d: {  	[sflag:s15] =	ssyncset.done $0x0  }
0x1e: {  	[sflag:s15] =	ssyncadd.s32 $0xFFFFD880  }
0x1f: {  	[bflag:$0x0] =	sbarrier.arrive $0xFFFF  }
0x20: {  	[tilespmem:s18], [sflag:$0x5] =	stream.linear.gather [hbm4b:s7+s4], $0x80, $0x38;
	[tilespmem:$0x1E480] =	vst v63  }
0x21: {  	_ = 	snop  }
0x22: {  	[tilespmem:s19], [sflag:$0x6] =	stream.linear.gather [hbm4b:s9+s4], $0x80, $0x38;
	[tilespmem:$0x1E480] =	vst v63  }
0x23: {  	_ = 	snop  }
0x24: {  	[tilespmem:s21], [sflag:$0x1] =	stream.indirect.gather [hbm4b:s5+s20], $0x80, s4, s20, $0xb8;
	[tilespmem:$0x1E480] =	vst v63  }
0x25: {  	_ = 	snop  }
0x26: {  	[tilespmem:s22], [sflag:$0x2] =	stream.indirect.gather [hbm4b:s5+s20], $0x80, s20, s20, $0xb8;
	[tilespmem:$0x1E480] =	vst v63  }
0x27: {  	_ =	swait.ge [sflag:s23], $0x4000  }
0x28: {  	[sflag:s23] =	ssyncset.done $0x0  }
0x29: {  	[sflag:s23] =	ssyncadd.s32 $0xFFFFC000  }
0x2a: {  	_ =	swait.ge [sflag:s24], $0x80  }
0x2b: {  	[sflag:s24] =	ssyncset.done $0x0  }
0x2c: {  	[sflag:s24] =	ssyncadd.s32 $0xFFFFFF80  }
0x2d: {  	[spmem:s3] =	stream.indirect.scatter.add.f32 [tilespmem:s21], [sflag:$0x3], $0x80, s18, s20, $0xb8;
	[tilespmem:$0x1E480] =	vst v63  }
0x2e: {  	_ =	swait.ge [sflag:s25], $0x4000  }
0x2f: {  	[sflag:s25] =	ssyncset.done $0x0  }
0x30: {  	[sflag:s25] =	ssyncadd.s32 $0xFFFFC000  }
0x31: {  	_ =	swait.ge [sflag:s26], $0x80  }
0x32: {  	[sflag:s26] =	ssyncset.done $0x0  }
0x33: {  	[sflag:s26] =	ssyncadd.s32 $0xFFFFFF80  }
0x34: {  	[spmem:s3] =	stream.indirect.scatter.add.f32 [tilespmem:s22], [sflag:$0x4], $0x80, s19, s20, $0xb8;
	[tilespmem:$0x1E480] =	vst v63  }
0x35: {  	_ =	swait.ge [sflag:s28], $0x4000  }
0x36: {  	s1 =	sshrl.u32 s13, $0x3;
	[sflag:s28] =	ssyncset.done $0x0  }
0x37: {  	s0 =	sadd.s32 s2, s1;
	[sflag:s28] =	ssyncadd.s32 $0xFFFFC000  }
0x38: {  	[tilespmem:s18], [sflag:$0x5] =	stream.linear.gather [hbm4b:s0+s4], $0x80, $0x38;
	[tilespmem:$0x1E480] =	vst v63  }
0x39: {  	s6 =	simm.s32 $0x100  }
0x3a: {  	[tilespmem:s21], [sflag:$0x1] =	stream.indirect.gather [hbm4b:s5+s20], $0x80, s6, s20, $0xb8;
	[tilespmem:$0x1E480] =	vst v63  }
0x3b: {  	s30 =	sadd.s32 $0x100, s13;
	_ =	swait.ge [sflag:s29], $0x4000  }
0x3c: {  	s1 =	simm.s32 $0x20;
	s8 =	sadd.s32 $0x0, s14;
	[sflag:s29] =	ssyncset.done $0x0  }
0x3d: {  	s0 =	simm.s32 $0x200;
	s6 =	simm.s32 $0x180;
	[sflag:s29] =	ssyncadd.s32 $0xFFFFC000  }
0x3e: {  	[tilespmem:s19], [sflag:$0x6] =	stream.linear.gather [hbm4b:s8+s4], $0x80, $0x38;
	[tilespmem:$0x1E480] =	vst v63  }
.LBB2_2:
0x3f: {  	[tilespmem:s22], [sflag:$0x2] =	stream.indirect.gather [hbm4b:s5+s20], $0x80, s6, s20, $0xb8;
	[tilespmem:$0x1E480] =	vst v63  }
0x40: {  	s6 =	smov.u32 s1  }
0x41: {  	p0 =	sne.s32 s1, $0x4A0;
	s1 =	sadd.s32 $0x20, s1;
	_ =	swait.ge [sflag:s23], $0x4000  }
0x42: {  	[sflag:s23] =	ssyncset.done $0x0  }
0x43: {  	[sflag:s23] =	ssyncadd.s32 $0xFFFFC000  }
0x44: {  	_ =	swait.ge [sflag:s24], $0x80  }
0x45: {  	[sflag:s24] =	ssyncset.done $0x0  }
0x46: {  	[sflag:s24] =	ssyncadd.s32 $0xFFFFFF80  }
0x47: {  	[spmem:s3] =	stream.indirect.scatter.add.f32 [tilespmem:s21], [sflag:$0x3], $0x80, s18, s20, $0xb8;
	[tilespmem:$0x1E480] =	vst v63  }
0x48: {  	_ =	swait.ge [sflag:s25], $0x4000  }
0x49: {  	[sflag:s25] =	ssyncset.done $0x0  }
0x4a: {  	[sflag:s25] =	ssyncadd.s32 $0xFFFFC000  }
0x4b: {  	_ =	swait.ge [sflag:s26], $0x80  }
0x4c: {  	[sflag:s26] =	ssyncset.done $0x0  }
0x4d: {  	[sflag:s26] =	ssyncadd.s32 $0xFFFFFF80  }
0x4e: {  	[spmem:s3] =	stream.indirect.scatter.add.f32 [tilespmem:s22], [sflag:$0x4], $0x80, s19, s20, $0xb8;
	[tilespmem:$0x1E480] =	vst v63  }
0x4f: {  	_ =	swait.ge [sflag:s28], $0x4000  }
0x50: {  	s8 =	sshrl.u32 s30, $0x3;
	[sflag:s28] =	ssyncset.done $0x0  }
0x51: {  	s8 =	sadd.s32 s2, s8;
	[sflag:s28] =	ssyncadd.s32 $0xFFFFC000  }
0x52: {  	[tilespmem:s18], [sflag:$0x5] =	stream.linear.gather [hbm4b:s8+s4], $0x80, $0x38;
	[tilespmem:$0x1E480] =	vst v63  }
0x53: {  	_ = 	snop  }
0x54: {  	[tilespmem:s21], [sflag:$0x1] =	stream.indirect.gather [hbm4b:s5+s20], $0x80, s0, s20, $0xb8;
	[tilespmem:$0x1E480] =	vst v63  }
.Ltmp0:
0x55: {  	_ =	swait.ge [sflag:s29], $0x4000;
	(pc) =	sbr.rel @p0 .LBB2_2-.Ltmp0, $4  }
0x56: {  	[sflag:s29] =	ssyncset.done $0x0  }
0x57: {  	s6 =	sadd.s32 s6, s14;
	[sflag:s29] =	ssyncadd.s32 $0xFFFFC000  }
0x58: {  	[tilespmem:s19], [sflag:$0x6] =	stream.linear.gather [hbm4b:s6+s4], $0x80, $0x38;
	[tilespmem:$0x1E480] =	vst v63  }
0x59: {  	s30 =	sadd.s32 $0x100, s30;
	s6 =	sadd.s32 $0x80, s0;
	s0 =	sadd.s32 $0x100, s0  }
0x5a: {  	[tilespmem:s22], [sflag:$0x2] =	stream.indirect.gather [hbm4b:s5+s20], $0x80, s6, s20, $0xb8;
	[tilespmem:$0x1E480] =	vst v63  }
0x5b: {  	_ =	swait.ge [sflag:s23], $0x4000  }
0x5c: {  	[sflag:s23] =	ssyncset.done $0x0  }
0x5d: {  	[sflag:s23] =	ssyncadd.s32 $0xFFFFC000  }
0x5e: {  	_ =	swait.ge [sflag:s24], $0x80  }
0x5f: {  	[sflag:s24] =	ssyncset.done $0x0  }
0x60: {  	[sflag:s24] =	ssyncadd.s32 $0xFFFFFF80  }
0x61: {  	[spmem:s3] =	stream.indirect.scatter.add.f32 [tilespmem:s21], [sflag:$0x3], $0x80, s18, s20, $0xb8;
	[tilespmem:$0x1E480] =	vst v63  }
0x62: {  	_ =	swait.ge [sflag:s25], $0x4000  }
0x63: {  	[sflag:s25] =	ssyncset.done $0x0  }
0x64: {  	[sflag:s25] =	ssyncadd.s32 $0xFFFFC000  }
0x65: {  	_ =	swait.ge [sflag:s26], $0x80  }
0x66: {  	[sflag:s26] =	ssyncset.done $0x0  }
0x67: {  	[sflag:s26] =	ssyncadd.s32 $0xFFFFFF80  }
0x68: {  	[spmem:s3] =	stream.indirect.scatter.add.f32 [tilespmem:s22], [sflag:$0x4], $0x80, s19, s20, $0xb8;
	[tilespmem:$0x1E480] =	vst v63  }
0x69: {  	_ =	swait.ge [sflag:s28], $0x4000  }
0x6a: {  	[sflag:s28] =	ssyncset.done $0x0  }
0x6b: {  	[sflag:s28] =	ssyncadd.s32 $0xFFFFC000  }
0x6c: {  	_ =	swait.ge [sflag:s29], $0x4000  }
0x6d: {  	[sflag:s29] =	ssyncset.done $0x0  }
0x6e: {  	[sflag:s29] =	ssyncadd.s32 $0xFFFFC000  }
0x6f: {  	[tilespmem:s18], [sflag:$0x5] =	stream.linear.gather [hbm4b:s10+s4], $0x80, $0x38;
	[tilespmem:$0x1E480] =	vst v63  }
0x70: {  	s0 =	simm.s32 $0x2700  }
0x71: {  	[tilespmem:s21], [sflag:$0x1] =	stream.indirect.gather [hbm4b:s5+s20], $0x80, s0, s20, $0xb8;
	[tilespmem:$0x1E480] =	vst v63  }
0x72: {  	_ =	swait.ge [sflag:s23], $0x4000  }
0x73: {  	[sflag:s23] =	ssyncset.done $0x0  }
0x74: {  	[sflag:s23] =	ssyncadd.s32 $0xFFFFC000  }
0x75: {  	_ =	swait.ge [sflag:s24], $0x80  }
0x76: {  	[sflag:s24] =	ssyncset.done $0x0  }
0x77: {  	[sflag:s24] =	ssyncadd.s32 $0xFFFFFF80  }
0x78: {  	[spmem:s3] =	stream.indirect.scatter.add.f32 [tilespmem:s21], [sflag:$0x7], $0x80, s18, s20, $0xb8;
	[tilespmem:$0x1E480] =	vst v63  }
0x79: {  	_ =	swait.ge [sflag:s15], $0x4000  }
0x7a: {  	s31 =	sadd.s32 $0x1, s31;
	[sflag:s15] =	ssyncset.done $0x0  }
0x7b: {  	p0 =	sne.s32 s31, s12;
	[sflag:s15] =	ssyncadd.s32 $0xFFFFC000  }
.Ltmp1:
0x7c: {  	[bflag:$0x0] =	sbarrier.arrive $0xFFFF;
	(pc) =	sbr.rel @p0 .LBB2_1-.Ltmp1, $4  }
0x7d: {  	[hbm:s11], [sflag:s16] =	dma.local [spmem:s17], $0x2780  }
0x7e: {  	_ =	swait.ge [sflag:s15], $0x2780  }
0x7f: {  	[sflag:s15] =	ssyncset.done $0x0  }
0x80: {  	[sflag:s15] =	ssyncadd.s32 $0xFFFFD880  }
0x81: {  	_ =	sfence.sel $0x180000  }
0x82: {  	[bflag:$0x0] =	sbarrier.arrive $0xFFFF  }
0x83: {  	_ =	strace $0x9000004A  }
0x84: {  	s0 =	stileid.u32;
	[bflag:$0x2] =	sbarrier.arrive $0xFFFF  }
0x85: {  	p0 =	sne.s32 s0, $0x0;
	s0 =	rddreg [dreg:$0x3]  }
0x86: {  	s0 =	sadd.s32 @!p0 $0x100000, s0  }
0x87: {  	[sflag:s0] =	ssyncadd.tile.s32 @!p0 $0x1;
	_ =	shalt  }
.Lfunc_end2:
_tile_overlayer_lowered:
.L_overlay_start_2:
0x88: {  	(tag) =	ssettag $0x2  }
0x89: {  	s0 =	rddreg [dreg:$0x0];
	s2 =	stileid.u32  }
0x8a: {  	s1 =	rddreg [dreg:$0x1];
	p0 =	sne.s32 s2, $0x0  }
0x8b: {  	s3 =	rddreg [dreg:$0x2];
	[bflag:$0x3] =	sbarrier.arrive $0xFFFF;
	s2 =	simm.s32 @!p0 $0x1C07  }
0x8c: {  	[timem:s3], [sflag:s2] =	dma.local @!p0 [hbm:s0], s1  }
0x8d: {  	s0 =	simm.s32 @!p0 $0x7  }
0x8e: {  	_ =	swait.ge @!p0 [sflag:s0], s1  }
0x8f: {  	s1 =	ssub.s32 @!p0 $0x0, s1;
	[sflag:s0] =	ssyncset.done @!p0 $0x0  }
0x90: {  	[sflag:s0] =	ssyncadd.s32 @!p0 s1  }
0x91: {  	[bflag:$0x3] =	sbarrier.arrive $0xFFFF  }
0x92: {  	_ =	shalt  }

// kernel: kernel.7.cloned.1.call-start
scs
__scs_entry_jumppad:
0x0: {  	(pc) =	sbr.rel $0x88, $3  }
0x1: {  	(tag) =	ssettag $0x0;
	lr =	simm.s32 $0x1  }
0x2: {  	[smem:$0x3F9C] =	sst lr;
	_ =	strace $0xD0000000  }
0x3: {  	_ = 	snop  }
0x4: {  	_ = 	snop  }
0x5: {  	_ = 	snop  }
0x6: {  	_ = 	snop  }
0x7: {  	_ = 	snop  }
__scs_overlays_trampoline_lowered:
0x8: {  	[smem:$0x3FAB] =	sst s0  }
0x9: {  	[smem:$0x3FAC] =	sst s1  }
0xa: {  	[smem:$0x3FAD] =	sst s2  }
0xb: {  	[smem:$0x3FAE] =	sst s3  }
0xc: {  	[smem:$0x3FAF] =	sst s4  }
0xd: {  	[smem:$0x3FB0] =	sst s5  }
0xe: {  	[smem:$0x3FB1] =	sst s6  }
0xf: {  	[smem:$0x3FB2] =	sst s7  }
0x10: {  	[smem:$0x3FB3] =	sst s8  }
0x11: {  	[smem:$0x3FB4] =	sst s9;
	s0 =	simm.s32 @!p0 $0x0  }
0x12: {  	s1 =	sld [smem:$0x3F9A];
	s0 =	simm.s32 @p0 $0x1  }
0x13: {  	[smem:$0x3FB5] =	sst s0;
	s0 =	simm.s32 @!p1 $0x0  }
0x14: {  	s2 =	sld [smem:$0x3F99];
	s0 =	simm.s32 @p1 $0x1  }
0x15: {  	[smem:$0x3FB6] =	sst s0;
	s0 =	simm.s32 @!p2 $0x0  }
0x16: {  	s3 =	sld [smem:$0x3FDB];
	s0 =	simm.s32 @p2 $0x1  }
0x17: {  	s4 =	simm.s32 $0x1BF5;
	[smem:$0x3FB8] =	sst s0  }
0x18: {  	s0 =	sld [smem:$0x3F9B];
	_ =	swait.ge [sflag:s4], $0x0  }
0x19: {  	s7 =	sld [smem:$0x3F9C]  }
0x1a: {  	s8 =	sadd.s32 $0xFFFFE003, lr  }
0x1b: {  	s9 =	sadd.s32 $0xFFFFFEF7, lr;
	s5 =	simm.s32 $0xFFFFFFFF;
	p2 =	slt.u32 s8, $0xFFFFF086  }
0x1c: {  	p1 =	slt.u32 s9, $0xF7A;
	s5 =	simm.s32 @!p2 $0x0  }
0x1d: {  	s5 =	simm.s32 @p1 $0x1;
	p0 =	seq.s32 s7, s2  }
0x1e: {  	s7 =	smul.u32 @!p0 $0xF7A, s2;
	p2 =	seq.s32 @!p0 s5, $0x0  }
0x1f: {  	s9 =	smul.u32 $0xF7A, s1;
	s8 =	simm.s32 @!p0 $0x1BF5;
	p2 =	por !p2, p0  }
0x20: {  	[sflag:s8] =	ssyncset.s32 @!p0 $0xFFFFF086;
	s6 =	sadd.s32 @!p0 s3, s7;
	s7 =	simm.s32 @!p0 $0x108  }
0x21: {  	s3 =	sadd.s32 s3, s9;
	s6 =	sadd.s32 @!p0 $0x88, s6;
	s7 =	simm.s32 @p2 $0x1082  }
0x22: {  	[simem:s7], [sflag:s8] =	dma.local @!p0 [hbm:s6], $0xF7A  }
0x23: {  	s9 =	sor.u32 $0xD0000000, s2;
	s6 =	simm.s32 $0x108;
	_ =	swait.ge @!p0 [sflag:s8], $0x0  }
0x24: {  	s3 =	sadd.s32 $0x88, s3;
	s6 =	simm.s32 @!p1 $0x1082;
	[sflag:s4] =	ssyncset.s32 $0xFFFFF086  }
0x25: {  	[simem:s6], [sflag:s4] =	dma.local [hbm:s3], $0xF7A  }
0x26: {  	[smem:$0x3F9C] =	sst s1;
	(tag) =	ssettag s2;
	_ =	strace s9  }
0x27: {  	s1 =	sld [smem:$0x3FAC]  }
0x28: {  	s2 =	sld [smem:$0x3FAD]  }
0x29: {  	s4 =	sld [smem:$0x3FAF]  }
0x2a: {  	p0 =	seq.s32 s5, $0x0;
	s5 =	sld [smem:$0x3FB0]  }
0x2b: {  	s6 =	sld [smem:$0x3FB1]  }
0x2c: {  	s7 =	sld [smem:$0x3FB2]  }
0x2d: {  	s3 =	simm.s32 $0x108;
	s8 =	sld [smem:$0x3FB3]  }
0x2e: {  	s3 =	simm.s32 @!p0 $0x1082;
	s9 =	sld [smem:$0x3FB4]  }
0x2f: {  	lr =	sadd.s32 s0, s3;
	s0 =	sld [smem:$0x3FAB]  }
0x30: {  	s3 =	sld [smem:$0x3FAE]  }
0x31: {  	[smem:$0x3FB7] =	sst s10  }
0x32: {  	s10 =	sld [smem:$0x3FB5];
	_ =	sdelay $0x3  }
0x33: {  	p0 =	seq.s32 s10, $0x1;
	s10 =	sld [smem:$0x3FB7];
	_ =	sdelay $0x3  }
0x34: {  	[smem:$0x3FB7] =	sst s10  }
0x35: {  	s10 =	sld [smem:$0x3FB6];
	_ =	sdelay $0x3  }
0x36: {  	p1 =	seq.s32 s10, $0x1;
	s10 =	sld [smem:$0x3FB7];
	_ =	sdelay $0x3  }
0x37: {  	[smem:$0x3FB7] =	sst s10  }
0x38: {  	s10 =	sld [smem:$0x3FB8]  }
0x39: {  	_ = 	snop;
	(pc) =	sbr.ind lr, $3  }
0x3a: {  	_ = 	snop  }
0x3b: {  	_ = 	snop  }
0x3c: {  	p2 =	seq.s32 s10, $0x1;
	s10 =	sld [smem:$0x3FB7]  }
0x3d: {  	_ =	shalt  }
0x3e: {  	_ =	shalt  }
0x3f: {  	_ =	shalt  }
0x40: {  	_ =	shalt  }
0x41: {  	_ =	shalt  }
0x42: {  	_ =	shalt  }
0x43: {  	_ =	shalt  }
0x44: {  	_ =	shalt  }
0x45: {  	_ =	shalt  }
0x46: {  	_ =	shalt  }
0x47: {  	_ =	shalt  }
0x48: {  	_ =	shalt  }
0x49: {  	_ =	shalt  }
0x4a: {  	_ =	shalt  }
0x4b: {  	_ =	shalt  }
0x4c: {  	_ =	shalt  }
0x4d: {  	_ =	shalt  }
0x4e: {  	_ =	shalt  }
0x4f: {  	_ =	shalt  }
0x50: {  	_ =	shalt  }
0x51: {  	_ =	shalt  }
0x52: {  	_ =	shalt  }
0x53: {  	_ =	shalt  }
0x54: {  	_ =	shalt  }
0x55: {  	_ =	shalt  }
0x56: {  	_ =	shalt  }
0x57: {  	_ =	shalt  }
0x58: {  	_ =	shalt  }
0x59: {  	_ =	shalt  }
0x5a: {  	_ =	shalt  }
0x5b: {  	_ =	shalt  }
0x5c: {  	_ =	shalt  }
0x5d: {  	_ =	shalt  }
0x5e: {  	_ =	shalt  }
0x5f: {  	_ =	shalt  }
0x60: {  	_ =	shalt  }
0x61: {  	_ =	shalt  }
0x62: {  	_ =	shalt  }
0x63: {  	_ =	shalt  }
0x64: {  	_ =	shalt  }
0x65: {  	_ =	shalt  }
0x66: {  	_ =	shalt  }
0x67: {  	_ =	shalt  }
0x68: {  	_ =	shalt  }
0x69: {  	_ =	shalt  }
0x6a: {  	_ =	shalt  }
0x6b: {  	_ =	shalt  }
0x6c: {  	_ =	shalt  }
0x6d: {  	_ =	shalt  }
0x6e: {  	_ =	shalt  }
0x6f: {  	_ =	shalt  }
0x70: {  	_ =	shalt  }
0x71: {  	_ =	shalt  }
0x72: {  	_ =	shalt  }
0x73: {  	_ =	shalt  }
0x74: {  	_ =	shalt  }
0x75: {  	_ =	shalt  }
0x76: {  	_ =	shalt  }
0x77: {  	_ =	shalt  }
0x78: {  	_ =	shalt  }
0x79: {  	_ =	shalt  }
0x7a: {  	_ =	shalt  }
0x7b: {  	_ =	shalt  }
0x7c: {  	_ =	shalt  }
0x7d: {  	_ =	shalt  }
0x7e: {  	_ =	shalt  }
0x7f: {  	_ =	shalt  }
0x80: {  	_ =	shalt  }
0x81: {  	_ =	shalt  }
0x82: {  	_ =	shalt  }
0x83: {  	_ =	shalt  }
0x84: {  	_ =	shalt  }
0x85: {  	_ =	shalt  }
0x86: {  	_ =	shalt  }
0x87: {  	_ =	shalt  }
.Lfunc_end0:
.L_simem_size_0:
called_computation_lowered:
.L_overlay_start_0:
0x88: {  	s2 =	sld [smem:$0x3FD9]  }
0x89: {  	s3 =	sld [smem:$0x3FFE];
	_ =	sdelay $0x1  }
0x8a: {  	s1 =	srdreg.scid  }
0x8b: {  	s0 =	sand.u32 $0x1, s1  }
0x8c: {  	s14 =	sshll.u32 s0, $0xA;
	s2 =	sadd.s32 s3, s2  }
0x8d: {  	s2 =	sadd.s32 s2, s14  }
0x8e: {  	[smem:$0x3FC3] =	sst s2  }
0x8f: {  	_ = 	snop  }
0x90: {  	s2 =	sld [smem:$0x3FD0];
	_ =	sdelay $0x2  }
0x91: {  	s15 =	simm.s32 $0xA;
	s4 =	simm.s32 $0x10  }
0x92: {  	[smem:s4], [sflag:s15] =	dma.local [hbm:s2], $0x1  }
0x93: {  	_ =	swait.eq [sflag:s15], $0x1  }
0x94: {  	[sflag:s15] =	ssyncset.done $0x0  }
0x95: {  	s16 =	sld [smem:$0x10];
	[sflag:s15] =	ssyncadd.s32 $0xFFFFFFFF  }
0x96: {  	s17 =	sld [smem:$0x11];
	(tm) =	ssettm $0x1  }
0x97: {  	s18 =	sld [smem:$0x3FFB];
	_ =	sdelay $0x3  }
0x98: {  	_ =	strace s18  }
0x99: {  	s4 =	sld [smem:$0x3FFC];
	_ =	sdelay $0x3  }
0x9a: {  	_ =	strace s4  }
0x9b: {  	s4 =	sld [smem:$0x3FFD];
	_ =	sdelay $0x3  }
0x9c: {  	_ =	strace s4  }
0x9d: {  	_ =	strace $0x8FFFFFFF  }
0x9e: {  	s19 =	sld [smem:$0x3FDB];
	_ =	sdelay $0x1  }
0x9f: {  	s5 =	simm.s32 $_scs_section_size  }
0xa0: {  	s6 =	simm.s32 $_size__tile_overlayer_lowered;
	s7 =	simm.s32 $_tile_overlayer_lowered  }
0xa1: {  	s22 =	simm.s32 $0x1BFF;
	s21 =	sshll.u32 s7, $0x1;
	s4 =	sadd.s32 s5, s19  }
0xa2: {  	s8 =	simm.s32 $0x0;
	s20 =	sshll.u32 s6, $0x1;
	s6 =	sadd.s32 s21, s4  }
0xa3: {  	[timem:s8], [sflag:s22] =	dma.local [hbm:s6], s20  }
0xa4: {  	_ =	swait.ge [sflag:s22], s20  }
0xa5: {  	s5 =	ssub.s32 $0x0, s20;
	[sflag:s22] =	ssyncset.done $0x0  }
0xa6: {  	[sflag:s22] =	ssyncadd.s32 s5;
	_ =	sdelay $0x1  }
0xa7: {  	s23 =	simm.s32 $0x1B8B  }
0xa8: {  	_ =	swait.ge [sflag:s23], $0x1  }
0xa9: {  	[sflag:s23] =	ssyncset.done $0x0  }
0xaa: {  	s25 =	simm.s32 $0x1B8E;
	s24 =	sld [smem:$0x3FFE];
	[sflag:s23] =	ssyncadd.s32 $0xFFFFFFFF  }
0xab: {  	s26 =	simm.s32 $execute0_lowered;
	[smem:$0x3FD2] =	sst s25  }
0xac: {  	s6 =	sshll.u32 s26, $0x1;
	_ =	strace $0x80000046;
	[dreg:$0x1] =	wrdreg $0xFFFFFFFF  }
0xad: {  	s28 =	simm.s32 $_size_execute0_lowered;
	s4 =	sadd.s32 s4, s6;
	[dreg:$0x0] =	wrdreg $0x0  }
0xae: {  	s6 =	sshll.u32 s28, $0x1;
	[dreg:$0x2] =	wrdreg s4  }
0xaf: {  	[dreg:$0x3] =	wrdreg s6  }
0xb0: {  	[dreg:$0x4] =	wrdreg $0xC0  }
0xb1: {  	_ =	task [dreg:s8], $0x5FFFF  }
0xb2: {  	[dreg:$0x1] =	wrdreg $0xFFFFFFFF  }
0xb3: {  	[dreg:$0x0] =	wrdreg $0x60  }
0xb4: {  	[dreg:$0x2] =	wrdreg s24  }
0xb5: {  	[dreg:$0x3] =	wrdreg s16  }
0xb6: {  	[dreg:$0x4] =	wrdreg s17  }
0xb7: {  	[dreg:$0x5] =	wrdreg $0xAE000  }
0xb8: {  	[dreg:$0x6] =	wrdreg $0xAB800  }
0xb9: {  	[dreg:$0x7] =	wrdreg $0x9  }
0xba: {  	_ =	task.clear_ibuf [dreg:s8], $0x8FFFF;
	_ =	strace $0x90000046  }
0xbb: {  	s29 =	simm.s32 $0x9;
	_ =	strace $0x80000048  }
0xbc: {  	_ =	swait.ge [sflag:s29], $0x1  }
0xbd: {  	[sflag:s29] =	ssyncadd.s32 $0xFFFFFFFF  }
0xbe: {  	_ =	strace $0x90000048  }
0xbf: {  	_ =	sfence  }
0xc0: {  	s30 =	sld [smem:$0x0];
	_ =	sdelay $0x2  }
0xc1: {  	s31 =	sshll.u32 s1, $0xD;
	s1 =	sshrl.u32 s1, $0x2  }
0xc2: {  	s3 =	sand.u32 $0x4000, s31;
	s1 =	sadd.s32 s1, s30  }
0xc3: {  	s0 =	sor.u32 s3, s0;
	s1 =	sshll.u32 s1, $0x11  }
0xc4: {  	s0 =	sor.u32 s1, s0  }
0xc5: {  	s0 =	sadd.s32 $0x8F2B, s0  }
0xc6: {  	[sflag:s0] =	ssyncadd.remote.s32 $0x1  }
0xc7: {  	_ =	sfence.sel $0xFFFF  }
0xc8: {  	[dreg:$0x0] =	wrdreg $0xFFFFFFFF;
	(pc) =	sbr.abs _section_cstart, $3  }
0xc9: {  	[dreg:$0x1] =	wrdreg $0xFFFFFFFF  }
0xca: {  	_ =	task.clear_ibuf [dreg:s8], $0x2FFFF;
	_ =	strace $0x9FFFFFFF  }
0xcb: {  	(tm) =	ssettm $0x7FFFFFFF  }
tec
execute0_lowered:
.L_overlay_start_1:
0x0: {  	(tag) =	ssettag $0x1  }
0x1: {  	s0 =	rddreg [dreg:$0x0]  }
0x2: {  	s2 =	rddreg [dreg:$0x1]  }
0x3: {  	s7 =	rddreg [dreg:$0x2]  }
0x4: {  	s1 =	rddreg [dreg:$0x3]  }
0x5: {  	s3 =	rddreg [dreg:$0x4];
	s4 =	simm.s32 $0x0;
	s19 =	stileid.u32  }
0x6: {  	s5 =	srdreg.scid;
	s28 =	simm.s32 $0x1;
	s8 =	smul.u32 $0x13C00, s19  }
0x7: {  	s29 =	simm.s32 $0x5;
	s30 =	simm.s32 $0xA880;
	s14 =	smul.u32 $0x4F000, s19  }
0x8: {  	s31 =	simm.s32 $0x2;
	[smem:$0x7FF] =	sst s4;
	s15 =	smul.u32 $0xA00, s19  }
0x9: {  	s10 =	sand.u32 $0x1, s5;
	s5 =	sadd.s32 $0xC200, s0;
	s16 =	smul.u32 $0x500, s19  }
0xa: {  	s6 =	sadd.s32 $0x2400, s0;
	_ =	strace $0x80000047;
	s9 =	smul.u32 $0x13C000, s10  }
0xb: {  	s11 =	sshll.u32 s10, $0x4;
	s24 =	ssub.s32 $0x2, s10;
	s18 =	smul.u32 $0x27800, s10  }
0xc: {  	s20 =	sshll.u32 s10, $0x7;
	s12 =	sshrl.u32 s8, $0x3;
	s11 =	sor.u32 s19, s11  }
0xd: {  	s13 =	sshrl.u32 s24, $0x1;
	s17 =	sshrl.u32 s15, $0x2;
	s15 =	smul.u32 $0x2780, s19  }
0xe: {  	s14 =	sshrl.u32 s14, $0x2;
	s8 =	sadd.s32 s8, s9;
	s11 =	smul.u32 $0x2780, s11  }
0xf: {  	s12 =	sadd.s32 s12, s0;
	s25 =	ssub.s32 s24, s13;
	s10 =	sadd.s32 s17, s3  }
0x10: {  	s8 =	sshrl.u32 s8, $0x3;
	s12 =	sadd.s32 $0x33A00, s12;
	s22 =	sadd.s32 s15, s18  }
0x11: {  	s25 =	smax.u32 s25, $0x1;
	s18 =	simm.s32 $0x9;
	s0 =	sadd.s32 s8, s0  }
0x12: {  	s26 =	sshrl.u32 s11, $0x3;
	[dreg:$0x7] =	wrdreg s12;
	s11 =	sor.u32 s20, s16  }
0x13: {  	s24 =	sadd.s32 $0x180, s22;
	[dreg:$0xd] =	wrdreg s25;
	s16 =	sadd.s32 $0x100, s22  }
0x14: {  	s22 =	simm.s32 $0x2780;
	s25 =	simm.s32 $0x2880;
	s8 =	simm.s32 $0x8  }
0x15: {  	s2 =	sadd.s32 s2, s26;
	s9 =	sadd.s32 s6, s26;
	s11 =	sshrl.u32 s11, $0x3  }
0x16: {  	s0 =	sadd.s32 $0x5B200, s0;
	s26 =	sshll.u32 s19, $0x6;
	[dreg:$0x6] =	wrdreg s2  }
0x17: {  	s2 =	sadd.s32 s14, s1;
	s21 =	sadd.s32 $0x10, s9;
	[dreg:$0x8] =	wrdreg s9  }
0x18: {  	s9 =	sadd.s32 $0x4E0, s9;
	[dreg:$0xb] =	wrdreg s0;
	s23 =	sadd.s32 s7, s11  }
0x19: {  	s0 =	sshrl.u32 s24, $0x3;
	s19 =	sor.u32 $0x1C09, s26;
	[dreg:$0x9] =	wrdreg s21  }
0x1a: {  	s24 =	simm.s32 $0x80;
	s26 =	simm.s32 $0x6880;
	[dreg:$0xa] =	wrdreg s9  }
0x1b: {  	s7 =	simm.s32 $0x4;
	s11 =	simm.s32 $0x0;
	[dreg:$0xc] =	wrdreg s23  }
0x1c: {  	s17 =	sadd.s32 s0, s6;
	s20 =	sshrl.u32 s2, $0x3;
	s23 =	simm.s32 $0x2800  }
0x1d: {  	v0 =	vimm.f32 $1.000000000e+00;
	v1 =	vimm.f32 $0.0e+00;
	s0 =	simm.s32 $0x6;
	s2 =	simm.s32 $0x3;
	s21 =	simm.s32 $0x7  }
.LBB2_1:
0x1e: {  	s9 =	rddreg [dreg:$0x6]  }
0x1f: {  	[tilespmem:s4], [sflag:$0x9] =	stream.linear.gather [hbm4b:s9+s4], $0x2780, $0x38;
	[tilespmem:$0x1EA00] =	vst v63  }
0x20: {  	_ =	swait.ge [sflag:s18], $0x2780  }
0x21: {  	[sflag:s18] =	ssyncset.done $0x0  }
0x22: {  	s14 =	rddreg [dreg:$0x7];
	[sflag:s18] =	ssyncadd.s32 $0xFFFFD880  }
0x23: {  	[spmem:s20], [sflag:s19] =	dma.local [hbm:s14], $0x2780  }
0x24: {  	_ =	swait.ge [sflag:s18], $0x2780  }
0x25: {  	[sflag:s18] =	ssyncset.done $0x0  }
0x26: {  	[sflag:s18] =	ssyncadd.s32 $0xFFFFD880  }
0x27: {  	[tilespmem:$0xA880] =	vst v0  }
0x28: {  	[tilespmem:$0xA890] =	vst v0  }
0x29: {  	[tilespmem:$0xA8A0] =	vst v0  }
0x2a: {  	[tilespmem:$0xA8B0] =	vst v0  }
0x2b: {  	[tilespmem:$0xA8C0] =	vst v0  }
0x2c: {  	[tilespmem:$0xA8D0] =	vst v0  }
0x2d: {  	[tilespmem:$0xA8E0] =	vst v0  }
0x2e: {  	[tilespmem:$0xA8F0] =	vst v0  }
0x2f: {  	[tilespmem:$0xA900] =	vst v1  }
0x30: {  	[tilespmem:$0xA910] =	vst v1  }
0x31: {  	[tilespmem:$0xA920] =	vst v1  }
0x32: {  	[tilespmem:$0xA930] =	vst v1  }
0x33: {  	[tilespmem:$0xA940] =	vst v1  }
0x34: {  	[tilespmem:$0xA950] =	vst v1  }
0x35: {  	[tilespmem:$0xA960] =	vst v1  }
0x36: {  	[tilespmem:$0xA970] =	vst v1  }
0x37: {  	[tilespmem:$0xA980] =	vst v1  }
0x38: {  	[tilespmem:$0xA990] =	vst v1  }
0x39: {  	[tilespmem:$0xA9A0] =	vst v1  }
0x3a: {  	[tilespmem:$0xA9B0] =	vst v1  }
0x3b: {  	[tilespmem:$0xA9C0] =	vst v1  }
0x3c: {  	[tilespmem:$0xA9D0] =	vst v1  }
0x3d: {  	[tilespmem:$0xA9E0] =	vst v1  }
0x3e: {  	[tilespmem:$0xA9F0] =	vst v1  }
0x3f: {  	[tilespmem:$0xAA00] =	vst v1  }
0x40: {  	[tilespmem:$0xAA10] =	vst v1  }
0x41: {  	[tilespmem:$0xAA20] =	vst v1  }
0x42: {  	[tilespmem:$0xAA30] =	vst v1  }
0x43: {  	[tilespmem:$0xAA40] =	vst v1  }
0x44: {  	[tilespmem:$0xAA50] =	vst v1  }
0x45: {  	[tilespmem:$0xAA60] =	vst v1  }
0x46: {  	[tilespmem:$0xAA70] =	vst v1  }
0x47: {  	[tilespmem:$0xAA80] =	vst v1  }
0x48: {  	[tilespmem:$0xAA90] =	vst v1  }
0x49: {  	[tilespmem:$0xAAA0] =	vst v1  }
0x4a: {  	[tilespmem:$0xAAB0] =	vst v1  }
0x4b: {  	[tilespmem:$0xAAC0] =	vst v1  }
0x4c: {  	[tilespmem:$0xAAD0] =	vst v1  }
0x4d: {  	[tilespmem:$0xAAE0] =	vst v1  }
0x4e: {  	[tilespmem:$0xAAF0] =	vst v1  }
0x4f: {  	[tilespmem:$0xAB00] =	vst v1  }
0x50: {  	[tilespmem:$0xAB10] =	vst v1  }
0x51: {  	[tilespmem:$0xAB20] =	vst v1  }
0x52: {  	[tilespmem:$0xAB30] =	vst v1  }
0x53: {  	[tilespmem:$0xAB40] =	vst v1  }
0x54: {  	[tilespmem:$0xAB50] =	vst v1  }
0x55: {  	[tilespmem:$0xAB60] =	vst v1  }
0x56: {  	s15 =	simm.s32 $0xA900;
	[tilespmem:$0xAB70] =	vst v1  }
0x57: {  	[spmem:s10] =	stream.linear.scatter [tilespmem:s15], [sflag:$0x9], $0x280, $0x38;
	[tilespmem:$0x1EA00] =	vst v63  }
0x58: {  	_ =	swait.ge [sflag:s18], $0x280  }
0x59: {  	[sflag:s18] =	ssyncset.done $0x0  }
0x5a: {  	[sflag:s18] =	ssyncadd.s32 $0xFFFFFD80  }
0x5b: {  	[bflag:$0x0] =	sbarrier.arrive $0xFFFF  }
0x5c: {  	s12 =	rddreg [dreg:$0x8]  }
0x5d: {  	[tilespmem:s22], [sflag:$0x5] =	stream.linear.gather [hbm4b:s12+s4], $0x80, $0x38;
	[tilespmem:$0x1EA00] =	vst v63  }
0x5e: {  	s13 =	rddreg [dreg:$0x9]  }
0x5f: {  	[tilespmem:s23], [sflag:$0x6] =	stream.linear.gather [hbm4b:s13+s4], $0x80, $0x38;
	[tilespmem:$0x1EA00] =	vst v63  }
0x60: {  	_ = 	snop  }
0x61: {  	[tilespmem:s25], [sflag:$0x1] =	stream.indirect.gather [hbm4b:s5+s24], $0x80, s4, s24, $0xb8;
	[tilespmem:$0x1EA00] =	vst v63  }
0x62: {  	_ = 	snop  }
0x63: {  	[tilespmem:s26], [sflag:$0x2] =	stream.indirect.gather [hbm4b:s5+s24], $0x80, s24, s24, $0xb8;
	[tilespmem:$0x1EA00] =	vst v63  }
0x64: {  	_ =	swait.ge [sflag:s28], $0x4000  }
0x65: {  	[sflag:s28] =	ssyncset.done $0x0  }
0x66: {  	[sflag:s28] =	ssyncadd.s32 $0xFFFFC000  }
0x67: {  	_ =	swait.ge [sflag:s29], $0x80  }
0x68: {  	[sflag:s29] =	ssyncset.done $0x0  }
0x69: {  	[sflag:s29] =	ssyncadd.s32 $0xFFFFFF80  }
0x6a: {  	[spmem:s1] =	stream.indirect.scatter.add.f32 [tilespmem:s25], [sflag:$0x3], $0x80, s22, s24, $0xb8;
	[tilespmem:$0x1EA00] =	vst v63  }
0x6b: {  	_ = 	snop  }
0x6c: {  	[spmem:s3] =	stream.indirect.scatter.add.f32 [tilespmem:s30], [sflag:$0x7], $0x1, s22, s24, $0xb8;
	[tilespmem:$0x1EA00] =	vst v63  }
0x6d: {  	_ =	swait.ge [sflag:s31], $0x4000  }
0x6e: {  	[sflag:s31] =	ssyncset.done $0x0  }
0x6f: {  	[sflag:s31] =	ssyncadd.s32 $0xFFFFC000  }
0x70: {  	_ =	swait.ge [sflag:s0], $0x80  }
0x71: {  	[sflag:s0] =	ssyncset.done $0x0  }
0x72: {  	[sflag:s0] =	ssyncadd.s32 $0xFFFFFF80  }
0x73: {  	[spmem:s1] =	stream.indirect.scatter.add.f32 [tilespmem:s26], [sflag:$0x4], $0x80, s23, s24, $0xb8;
	[tilespmem:$0x1EA00] =	vst v63  }
0x74: {  	_ = 	snop  }
0x75: {  	[spmem:s3] =	stream.indirect.scatter.add.f32 [tilespmem:s30], [sflag:$0x8], $0x1, s23, s24, $0xb8;
	[tilespmem:$0x1EA00] =	vst v63  }
0x76: {  	_ =	swait.ge [sflag:s2], $0x4000  }
0x77: {  	[sflag:s2] =	ssyncset.done $0x0  }
0x78: {  	[sflag:s2] =	ssyncadd.s32 $0xFFFFC000  }
0x79: {  	_ =	swait.ge [sflag:s21], $0x80  }
0x7a: {  	s12 =	sshrl.u32 s16, $0x3;
	[sflag:s21] =	ssyncset.done $0x0  }
0x7b: {  	s12 =	sadd.s32 s6, s12;
	[sflag:s21] =	ssyncadd.s32 $0xFFFFFF80  }
0x7c: {  	[tilespmem:s22], [sflag:$0x5] =	stream.linear.gather [hbm4b:s12+s4], $0x80, $0x38;
	[tilespmem:$0x1EA00] =	vst v63  }
0x7d: {  	s14 =	simm.s32 $0x100  }
0x7e: {  	[tilespmem:s25], [sflag:$0x1] =	stream.indirect.gather [hbm4b:s5+s24], $0x80, s14, s24, $0xb8;
	[tilespmem:$0x1EA00] =	vst v63  }
0x7f: {  	_ =	swait.ge [sflag:s7], $0x4000  }
0x80: {  	[sflag:s7] =	ssyncset.done $0x0  }
0x81: {  	[sflag:s7] =	ssyncadd.s32 $0xFFFFC000  }
0x82: {  	_ =	swait.ge [sflag:s8], $0x80  }
0x83: {  	[sflag:s8] =	ssyncset.done $0x0  }
0x84: {  	s15 =	sadd.s32 $0x0, s17;
	s13 =	simm.s32 $0x200;
	[sflag:s8] =	ssyncadd.s32 $0xFFFFFF80  }
0x85: {  	[tilespmem:s23], [sflag:$0x6] =	stream.linear.gather [hbm4b:s15+s4], $0x80, $0x38;
	[tilespmem:$0x1EA00] =	vst v63  }
0x86: {  	s12 =	simm.s32 $0x20;
	s14 =	sadd.s32 $0x100, s16;
	s15 =	simm.s32 $0x180  }
.LBB2_2:
0x87: {  	[tilespmem:s26], [sflag:$0x2] =	stream.indirect.gather [hbm4b:s5+s24], $0x80, s15, s24, $0xb8;
	[tilespmem:$0x1EA00] =	vst v63  }
0x88: {  	s15 =	smov.u32 s12  }
0x89: {  	p0 =	sne.s32 s12, $0x4A0;
	s12 =	sadd.s32 $0x20, s12;
	_ =	swait.ge [sflag:s28], $0x4000  }
0x8a: {  	[sflag:s28] =	ssyncset.done $0x0  }
0x8b: {  	[sflag:s28] =	ssyncadd.s32 $0xFFFFC000  }
0x8c: {  	_ =	swait.ge [sflag:s29], $0x80  }
0x8d: {  	[sflag:s29] =	ssyncset.done $0x0  }
0x8e: {  	[sflag:s29] =	ssyncadd.s32 $0xFFFFFF80  }
0x8f: {  	[spmem:s1] =	stream.indirect.scatter.add.f32 [tilespmem:s25], [sflag:$0x3], $0x80, s22, s24, $0xb8;
	[tilespmem:$0x1EA00] =	vst v63  }
0x90: {  	_ = 	snop  }
0x91: {  	[spmem:s3] =	stream.indirect.scatter.add.f32 [tilespmem:s30], [sflag:$0x7], $0x1, s22, s24, $0xb8;
	[tilespmem:$0x1EA00] =	vst v63  }
0x92: {  	_ =	swait.ge [sflag:s31], $0x4000  }
0x93: {  	[sflag:s31] =	ssyncset.done $0x0  }
0x94: {  	[sflag:s31] =	ssyncadd.s32 $0xFFFFC000  }
0x95: {  	_ =	swait.ge [sflag:s0], $0x80  }
0x96: {  	[sflag:s0] =	ssyncset.done $0x0  }
0x97: {  	[sflag:s0] =	ssyncadd.s32 $0xFFFFFF80  }
0x98: {  	[spmem:s1] =	stream.indirect.scatter.add.f32 [tilespmem:s26], [sflag:$0x4], $0x80, s23, s24, $0xb8;
	[tilespmem:$0x1EA00] =	vst v63  }
0x99: {  	_ = 	snop  }
0x9a: {  	[spmem:s3] =	stream.indirect.scatter.add.f32 [tilespmem:s30], [sflag:$0x8], $0x1, s23, s24, $0xb8;
	[tilespmem:$0x1EA00] =	vst v63  }
0x9b: {  	_ =	swait.ge [sflag:s2], $0x4000  }
0x9c: {  	[sflag:s2] =	ssyncset.done $0x0  }
0x9d: {  	[sflag:s2] =	ssyncadd.s32 $0xFFFFC000  }
0x9e: {  	_ =	swait.ge [sflag:s21], $0x80  }
0x9f: {  	s9 =	sshrl.u32 s14, $0x3;
	[sflag:s21] =	ssyncset.done $0x0  }
0xa0: {  	s9 =	sadd.s32 s6, s9;
	[sflag:s21] =	ssyncadd.s32 $0xFFFFFF80  }
0xa1: {  	[tilespmem:s22], [sflag:$0x5] =	stream.linear.gather [hbm4b:s9+s4], $0x80, $0x38;
	[tilespmem:$0x1EA00] =	vst v63  }
0xa2: {  	_ = 	snop  }
0xa3: {  	[tilespmem:s25], [sflag:$0x1] =	stream.indirect.gather [hbm4b:s5+s24], $0x80, s13, s24, $0xb8;
	[tilespmem:$0x1EA00] =	vst v63  }
0xa4: {  	_ =	swait.ge [sflag:s7], $0x4000  }
0xa5: {  	[sflag:s7] =	ssyncset.done $0x0  }
0xa6: {  	[sflag:s7] =	ssyncadd.s32 $0xFFFFC000  }
.Ltmp0:
0xa7: {  	_ =	swait.ge [sflag:s8], $0x80;
	(pc) =	sbr.rel @p0 .LBB2_2-.Ltmp0, $4  }
0xa8: {  	[sflag:s8] =	ssyncset.done $0x0  }
0xa9: {  	s9 =	sadd.s32 s15, s17;
	[sflag:s8] =	ssyncadd.s32 $0xFFFFFF80  }
0xaa: {  	[tilespmem:s23], [sflag:$0x6] =	stream.linear.gather [hbm4b:s9+s4], $0x80, $0x38;
	[tilespmem:$0x1EA00] =	vst v63  }
0xab: {  	s14 =	sadd.s32 $0x100, s14;
	s15 =	sadd.s32 $0x80, s13;
	s13 =	sadd.s32 $0x100, s13  }
0xac: {  	[tilespmem:s26], [sflag:$0x2] =	stream.indirect.gather [hbm4b:s5+s24], $0x80, s15, s24, $0xb8;
	[tilespmem:$0x1EA00] =	vst v63  }
0xad: {  	_ =	swait.ge [sflag:s28], $0x4000  }
0xae: {  	[sflag:s28] =	ssyncset.done $0x0  }
0xaf: {  	[sflag:s28] =	ssyncadd.s32 $0xFFFFC000  }
0xb0: {  	_ =	swait.ge [sflag:s29], $0x80  }
0xb1: {  	[sflag:s29] =	ssyncset.done $0x0  }
0xb2: {  	[sflag:s29] =	ssyncadd.s32 $0xFFFFFF80  }
0xb3: {  	[spmem:s1] =	stream.indirect.scatter.add.f32 [tilespmem:s25], [sflag:$0x3], $0x80, s22, s24, $0xb8;
	[tilespmem:$0x1EA00] =	vst v63  }
0xb4: {  	_ = 	snop  }
0xb5: {  	[spmem:s3] =	stream.indirect.scatter.add.f32 [tilespmem:s30], [sflag:$0x7], $0x1, s22, s24, $0xb8;
	[tilespmem:$0x1EA00] =	vst v63  }
0xb6: {  	_ =	swait.ge [sflag:s31], $0x4000  }
0xb7: {  	[sflag:s31] =	ssyncset.done $0x0  }
0xb8: {  	[sflag:s31] =	ssyncadd.s32 $0xFFFFC000  }
0xb9: {  	_ =	swait.ge [sflag:s0], $0x80  }
0xba: {  	[sflag:s0] =	ssyncset.done $0x0  }
0xbb: {  	[sflag:s0] =	ssyncadd.s32 $0xFFFFFF80  }
0xbc: {  	[spmem:s1] =	stream.indirect.scatter.add.f32 [tilespmem:s26], [sflag:$0x4], $0x80, s23, s24, $0xb8;
	[tilespmem:$0x1EA00] =	vst v63  }
0xbd: {  	_ = 	snop  }
0xbe: {  	[spmem:s3] =	stream.indirect.scatter.add.f32 [tilespmem:s30], [sflag:$0x8], $0x1, s23, s24, $0xb8;
	[tilespmem:$0x1EA00] =	vst v63  }
0xbf: {  	_ =	swait.ge [sflag:s2], $0x4000  }
0xc0: {  	[sflag:s2] =	ssyncset.done $0x0  }
0xc1: {  	[sflag:s2] =	ssyncadd.s32 $0xFFFFC000  }
0xc2: {  	_ =	swait.ge [sflag:s21], $0x80  }
0xc3: {  	[sflag:s21] =	ssyncset.done $0x0  }
0xc4: {  	[sflag:s21] =	ssyncadd.s32 $0xFFFFFF80  }
0xc5: {  	_ =	swait.ge [sflag:s7], $0x4000  }
0xc6: {  	[sflag:s7] =	ssyncset.done $0x0  }
0xc7: {  	[sflag:s7] =	ssyncadd.s32 $0xFFFFC000  }
0xc8: {  	_ =	swait.ge [sflag:s8], $0x80  }
0xc9: {  	[sflag:s8] =	ssyncset.done $0x0  }
0xca: {  	s9 =	rddreg [dreg:$0xa];
	[sflag:s8] =	ssyncadd.s32 $0xFFFFFF80  }
0xcb: {  	[tilespmem:s22], [sflag:$0x5] =	stream.linear.gather [hbm4b:s9+s4], $0x80, $0x38;
	[tilespmem:$0x1EA00] =	vst v63  }
0xcc: {  	s13 =	simm.s32 $0x2700  }
0xcd: {  	[tilespmem:s25], [sflag:$0x1] =	stream.indirect.gather [hbm4b:s5+s24], $0x80, s13, s24, $0xb8;
	[tilespmem:$0x1EA00] =	vst v63  }
0xce: {  	_ =	swait.ge [sflag:s28], $0x4000  }
0xcf: {  	[sflag:s28] =	ssyncset.done $0x0  }
0xd0: {  	[sflag:s28] =	ssyncadd.s32 $0xFFFFC000  }
0xd1: {  	_ =	swait.ge [sflag:s29], $0x80  }
0xd2: {  	[sflag:s29] =	ssyncset.done $0x0  }
0xd3: {  	[sflag:s29] =	ssyncadd.s32 $0xFFFFFF80  }
0xd4: {  	[spmem:s1] =	stream.indirect.scatter.add.f32 [tilespmem:s25], [sflag:$0x9], $0x80, s22, s24, $0xb8;
	[tilespmem:$0x1EA00] =	vst v63  }
0xd5: {  	_ =	swait.ge [sflag:s18], $0x4000  }
0xd6: {  	[sflag:s18] =	ssyncset.done $0x0  }
0xd7: {  	[sflag:s18] =	ssyncadd.s32 $0xFFFFC000  }
0xd8: {  	[spmem:s3] =	stream.indirect.scatter.add.f32 [tilespmem:s30], [sflag:$0x7], $0x1, s22, s24, $0xb8;
	[tilespmem:$0x1EA00] =	vst v63  }
0xd9: {  	_ =	swait.ge [sflag:s21], $0x80  }
0xda: {  	[sflag:s21] =	ssyncset.done $0x0  }
0xdb: {  	[sflag:s21] =	ssyncadd.s32 $0xFFFFFF80  }
0xdc: {  	[bflag:$0x0] =	sbarrier.arrive $0xFFFF  }
0xdd: {  	s14 =	rddreg [dreg:$0xb]  }
0xde: {  	[hbm:s14], [sflag:s19] =	dma.local [spmem:s20], $0x2780  }
0xdf: {  	_ =	swait.ge [sflag:s18], $0x2780  }
0xe0: {  	s15 =	sshrl.u32 s10, $0x3;
	s13 =	simm.s32 $0x20;
	[sflag:s18] =	ssyncset.done $0x0  }
0xe1: {  	s14 =	simm.s32 $0x10;
	s12 =	rddreg [dreg:$0xc];
	[sflag:s18] =	ssyncadd.s32 $0xFFFFD880  }
0xe2: {  	[hbm:s12@s13], [sflag:s19] =	dma.strided [spmem:s15@s14], $0x50, s28, $0x10   }
0xe3: {  	_ =	swait.ge [sflag:s18], $0x50  }
0xe4: {  	s11 =	sadd.s32 $0x1, s11;
	s15 =	rddreg [dreg:$0xd]  }
0xe5: {  	p0 =	sne.s32 s11, s15  }
.Ltmp1:
0xe6: {  	_ = 	snop;
	(pc) =	sbr.rel @p0 .LBB2_1-.Ltmp1, $3  }
0xe7: {  	_ =	sdelay $0x1  }
0xe8: {  	[sflag:s18] =	ssyncset.done $0x0  }
0xe9: {  	[sflag:s18] =	ssyncadd.s32 $0xFFFFFFB0  }
0xea: {  	_ =	sfence.sel $0x180000  }
0xeb: {  	[bflag:$0x0] =	sbarrier.arrive $0xFFFF  }
0xec: {  	_ =	strace $0x90000047  }
0xed: {  	s0 =	stileid.u32;
	[bflag:$0x2] =	sbarrier.arrive $0xFFFF  }
0xee: {  	p0 =	sne.s32 s0, $0x0;
	s0 =	rddreg [dreg:$0x5]  }
0xef: {  	s0 =	sadd.s32 @!p0 $0x100000, s0  }
0xf0: {  	[sflag:s0] =	ssyncadd.tile.s32 @!p0 $0x1;
	_ =	shalt  }
.Lfunc_end2:
_tile_overlayer_lowered:
.L_overlay_start_2:
0xf1: {  	(tag) =	ssettag $0x2  }
0xf2: {  	s0 =	rddreg [dreg:$0x0];
	s2 =	stileid.u32  }
0xf3: {  	s1 =	rddreg [dreg:$0x1];
	p0 =	sne.s32 s2, $0x0  }
0xf4: {  	s3 =	rddreg [dreg:$0x2];
	[bflag:$0x3] =	sbarrier.arrive $0xFFFF;
	s2 =	simm.s32 @!p0 $0x1C09  }
0xf5: {  	[timem:s3], [sflag:s2] =	dma.local @!p0 [hbm:s0], s1  }
0xf6: {  	s0 =	simm.s32 @!p0 $0x9  }
0xf7: {  	_ =	swait.ge @!p0 [sflag:s0], s1  }
0xf8: {  	s1 =	ssub.s32 @!p0 $0x0, s1;
	[sflag:s0] =	ssyncset.done @!p0 $0x0  }
0xf9: {  	[sflag:s0] =	ssyncadd.s32 @!p0 s1  }
0xfa: {  	[bflag:$0x3] =	sbarrier.arrive $0xFFFF  }
0xfb: {  	_ =	shalt  }

</sc_bundles>
